<compile_context>
chip_gen: v7x
topology: tpu7x:2x2x1
jax: 0.10.2.dev20260603
libtpu: 0.0.44.dev20260713+nightly
codegen_flags: <defaults>
</compile_context>

<pallas_src>
import functools

import jax
import jax.numpy as jnp
from jax import lax
from jax.experimental import pallas as pl
from jax.experimental.pallas import tpu as pltpu
from jax.experimental.pallas import tpu_sc as plsc

_ROW = 144
_CHUNK = 16
_NC = 2
_NS = 16
_INV_SQRT_C = 1.0 / 5.656854249492381



def _fold_body(we2_ref, we_ref, be2_ref, w2e_ref, b2e_ref):
    w2e_ref[...] = jnp.dot(we2_ref[...], we_ref[...],
                           preferred_element_type=jnp.float32)
    b2e_ref[...] = jnp.dot(be2_ref[...], we_ref[...],
                           preferred_element_type=jnp.float32)


def _node_body(x_ref, wq_ref, bq_ref, wk_ref, bk_ref, wv_ref, bv_ref,
               ws_ref, bs_ref, q_ref, k_ref, v_ref, xr_ref):
    xb = x_ref[...]
    q_ref[...] = jnp.dot(xb, wq_ref[...], preferred_element_type=jnp.float32) + bq_ref[...]
    k_ref[...] = jnp.dot(xb, wk_ref[...], preferred_element_type=jnp.float32) + bk_ref[...]
    v_ref[...] = jnp.dot(xb, wv_ref[...], preferred_element_type=jnp.float32) + bv_ref[...]
    xr_ref[...] = jnp.dot(xb, ws_ref[...], preferred_element_type=jnp.float32) + bs_ref[...]


def _edge_body(ea_ref, w1_ref, b1_ref, w2e_ref, b2e_ref, e_ref):
    h = jnp.dot(ea_ref[...], w1_ref[...],
                preferred_element_type=jnp.float32) + b1_ref[...]
    h = jnp.where(h >= 0, h, 0.15 * h)
    e_ref[...] = jnp.dot(h, w2e_ref[...],
                         preferred_element_type=jnp.float32) + b2e_ref[...]


def _final_body(m0_ref, m1_ref, d0_ref, d1_ref, xr_ref, wb_ref, o_ref):
    m = m0_ref[...] + m1_ref[...]
    d4 = d0_ref[:, 0:4] + d1_ref[:, 0:4]
    r = lax.broadcasted_iota(jnp.int32, (4, 128), 0)
    cc = lax.broadcasted_iota(jnp.int32, (4, 128), 1) // 32
    sel = (r == cc).astype(jnp.float32)
    den = jnp.dot(d4, sel, preferred_element_type=jnp.float32)
    out = m / (den + 1e-16)
    xrb = xr_ref[...]
    wa = wb_ref[0:128, :] + wb_ref[256:384, :]
    wb = wb_ref[128:256, :] - wb_ref[256:384, :]
    z = (jnp.dot(out, wa, preferred_element_type=jnp.float32)
         + jnp.dot(xrb, wb, preferred_element_type=jnp.float32))
    beta = jax.nn.sigmoid(z)
    o_ref[...] = beta * xrb + (1.0 - beta) * out



def _sc_body(n_nodes, n_edges, q_hbm, k_hbm, v_hbm, e_hbm, src_hbm, dst_hbm,
             m0_hbm, m1_hbm, d0_hbm, d1_hbm, idx_s, idx_d, qr, kr, vr, er,
             msg, acc, sem_e, sem_k, sem_v, sem_q):
    c = lax.axis_index("c")
    s = lax.axis_index("s")
    wid = c * _NS + s

    rows_per_sub = n_nodes // _NS
    zv = jnp.zeros((16,), jnp.float32)

    def _zb(b, _):
        for j in range(_ROW // 16):
            msg[b, pl.ds(16 * j, 16)] = zv
        return 0

    lax.fori_loop(0, _CHUNK, _zb, 0)
    zrows = 5

    def _zcopy(t, _):
        pltpu.sync_copy(msg.at[pl.ds(0, zrows), :],
                        acc.at[pl.ds(s * rows_per_sub + t * zrows, zrows), :])
        return 0

    lax.fori_loop(0, rows_per_sub // zrows, _zcopy, 0)
    plsc.subcore_barrier()

    per_tile = n_edges // (_NC * _NS)
    base0 = wid * per_tile
    lane = jnp.arange(16, dtype=jnp.int32)

    def _chunk(i, _):
        base = base0 + i * _CHUNK
        cp_e = pltpu.async_copy(e_hbm.at[pl.ds(base, _CHUNK), :], er, sem_e)
        pltpu.sync_copy(src_hbm.at[pl.ds(base, _CHUNK)], idx_s)
        pltpu.sync_copy(dst_hbm.at[pl.ds(base, _CHUNK)], idx_d)
        cp_k = pltpu.async_copy(k_hbm.at[idx_s], kr, sem_k)
        cp_v = pltpu.async_copy(v_hbm.at[idx_s], vr, sem_v)
        cp_q = pltpu.async_copy(q_hbm.at[idx_d], qr, sem_q)
        cp_e.wait()
        cp_k.wait()
        cp_v.wait()
        cp_q.wait()

        def _edge(b, _):
            ev = [er[b, pl.ds(16 * j, 16)] for j in range(8)]
            pv = [qr[b, pl.ds(16 * j, 16)] * (kr[b, pl.ds(16 * j, 16)] + ev[j])
                  for j in range(8)]
            exl = zv
            for h in range(4):
                tot = jnp.sum(pv[2 * h] + pv[2 * h + 1]) * _INV_SQRT_C
                exv = jnp.exp(jnp.full((16,), tot, jnp.float32))
                for j2 in range(2):
                    jj = 2 * h + j2
                    msg[b, pl.ds(16 * jj, 16)] = (
                        vr[b, pl.ds(16 * jj, 16)] + ev[jj]) * exv
                exl = jnp.where(lane == h, exv, exl)
            msg[b, pl.ds(128, 16)] = exl
            return 0

        lax.fori_loop(0, _CHUNK, _edge, 0)
        pltpu.sync_copy(msg, acc.at[idx_d], add=True)
        return 0

    lax.fori_loop(0, per_tile // _CHUNK, _chunk, 0)
    plsc.subcore_barrier()

    r0 = s * rows_per_sub

    @pl.when(c == 0)
    def _():
        pltpu.sync_copy(acc.at[pl.ds(r0, rows_per_sub), pl.ds(0, 128)],
                        m0_hbm.at[pl.ds(r0, rows_per_sub), :])
        pltpu.sync_copy(acc.at[pl.ds(r0, rows_per_sub), pl.ds(128, 16)],
                        d0_hbm.at[pl.ds(r0, rows_per_sub), pl.ds(0, 16)])

    @pl.when(c == 1)
    def _():
        pltpu.sync_copy(acc.at[pl.ds(r0, rows_per_sub), pl.ds(0, 128)],
                        m1_hbm.at[pl.ds(r0, rows_per_sub), :])
        pltpu.sync_copy(acc.at[pl.ds(r0, rows_per_sub), pl.ds(128, 16)],
                        d1_hbm.at[pl.ds(r0, rows_per_sub), pl.ds(0, 16)])



def kernel(x, edge_index, edge_attr, W_e1, b_e1, W_e2, b_e2, Wq, bq, Wk, bk,
           Wv, bv, We, Wskip, bskip, Wbeta):
    n, d = x.shape
    e_cnt = edge_attr.shape[0]
    hc = Wq.shape[1]


    fold = pl.pallas_call(
        _fold_body,
        out_shape=(jax.ShapeDtypeStruct((d, d), jnp.float32),
                   jax.ShapeDtypeStruct((1, d), jnp.float32)),
    )
    w2e, b2e = fold(W_e2, We, b_e2.reshape(1, d))

    nblk = 2000
    node = pl.pallas_call(
        _node_body,
        grid=(n // nblk,),
        in_specs=[pl.BlockSpec((nblk, d), lambda i: (i, 0))] +
                 [pl.BlockSpec((d, hc), lambda i: (0, 0)),
                  pl.BlockSpec((1, hc), lambda i: (0, 0))] * 4,
        out_specs=[pl.BlockSpec((nblk, hc), lambda i: (i, 0))] * 4,
        out_shape=[jax.ShapeDtypeStruct((n, hc), jnp.float32)] * 4,
    )
    q, k, v, xr = node(x, Wq, bq.reshape(1, hc), Wk, bk.reshape(1, hc),
                       Wv, bv.reshape(1, hc), Wskip, bskip.reshape(1, hc))

    eblk = 4000
    edim = edge_attr.shape[1]
    edge = pl.pallas_call(
        _edge_body,
        grid=(e_cnt // eblk,),
        in_specs=[pl.BlockSpec((eblk, edim), lambda i: (i, 0)),
                  pl.BlockSpec((edim, d), lambda i: (0, 0)),
                  pl.BlockSpec((1, d), lambda i: (0, 0)),
                  pl.BlockSpec((d, d), lambda i: (0, 0)),
                  pl.BlockSpec((1, d), lambda i: (0, 0))],
        out_specs=pl.BlockSpec((eblk, d), lambda i: (i, 0)),
        out_shape=jax.ShapeDtypeStruct((e_cnt, d), jnp.float32),
    )
    e = edge(edge_attr, W_e1, b_e1.reshape(1, d), w2e, b2e)

    src = edge_index[0].astype(jnp.int32)
    dst = edge_index[1].astype(jnp.int32)

    mesh = plsc.VectorSubcoreMesh(core_axis_name="c", subcore_axis_name="s")
    sc = pl.kernel(
        functools.partial(_sc_body, n, e_cnt),
        out_type=(jax.ShapeDtypeStruct((n, d), jnp.float32),
                  jax.ShapeDtypeStruct((n, d), jnp.float32),
                  jax.ShapeDtypeStruct((n, d), jnp.float32),
                  jax.ShapeDtypeStruct((n, d), jnp.float32)),
        mesh=mesh,
        scratch_types=[
            pltpu.VMEM((_CHUNK,), jnp.int32),
            pltpu.VMEM((_CHUNK,), jnp.int32),
            pltpu.VMEM((_CHUNK, d), jnp.float32),
            pltpu.VMEM((_CHUNK, d), jnp.float32),
            pltpu.VMEM((_CHUNK, d), jnp.float32),
            pltpu.VMEM((_CHUNK, d), jnp.float32),
            pltpu.VMEM((_CHUNK, _ROW), jnp.float32),
            pltpu.VMEM_SHARED((n, _ROW), jnp.float32),
            pltpu.SemaphoreType.DMA,
            pltpu.SemaphoreType.DMA,
            pltpu.SemaphoreType.DMA,
            pltpu.SemaphoreType.DMA,
        ],
        compiler_params=pltpu.CompilerParams(use_tc_tiling_on_sc=False,
                                             needs_layout_passes=False),
    )
    m0, m1, d0, d1 = sc(q, k, v, e, src, dst)

    final = pl.pallas_call(
        _final_body,
        grid=(n // nblk,),
        in_specs=[pl.BlockSpec((nblk, hc), lambda i: (i, 0)),
                  pl.BlockSpec((nblk, hc), lambda i: (i, 0)),
                  pl.BlockSpec((nblk, hc), lambda i: (i, 0)),
                  pl.BlockSpec((nblk, hc), lambda i: (i, 0)),
                  pl.BlockSpec((nblk, hc), lambda i: (i, 0)),
                  pl.BlockSpec((3 * hc, 1), lambda i: (0, 0))],
        out_specs=pl.BlockSpec((nblk, hc), lambda i: (i, 0)),
        out_shape=jax.ShapeDtypeStruct((n, hc), jnp.float32),
    )
    return final(m0, m1, d0, d1, xr, Wbeta)

# --- scband reference (transcript-rebuilt; emitter-appended) ---
"""Pipeline reference for scband-transformer-conv-e-23218593202853 (READ-ONLY COPY).

The authoritative reference and input builder live on the scoring server;
editing this copy changes nothing except your own understanding.
"""

import jax, jax.numpy as jnp
import numpy as np

N = 10000
E = 320000
D = 128
H = 4
C = 32
EDIM = 16


def setup_inputs(seed: int = 0):
    key = jax.random.key(seed)
    ks = jax.random.split(key, 20)
    s = 0.05
    inp = {}
    inp['x'] = jax.random.normal(ks[0], (N, D), dtype=jnp.float32)
    inp['edge_index'] = jax.random.randint(ks[1], (2, E), 0, N)
    inp['edge_attr'] = jax.random.normal(ks[2], (E, EDIM), dtype=jnp.float32)
    inp['W_e1'] = jax.random.normal(ks[3], (EDIM, D), dtype=jnp.float32) * s
    inp['b_e1'] = jnp.zeros((D,), dtype=jnp.float32)
    inp['W_e2'] = jax.random.normal(ks[4], (D, D), dtype=jnp.float32) * s
    inp['b_e2'] = jnp.zeros((D,), dtype=jnp.float32)
    inp['Wq'] = jax.random.normal(ks[5], (D, H * C), dtype=jnp.float32) * s
    inp['bq'] = jnp.zeros((H * C,), dtype=jnp.float32)
    inp['Wk'] = jax.random.normal(ks[6], (D, H * C), dtype=jnp.float32) * s
    inp['bk'] = jnp.zeros((H * C,), dtype=jnp.float32)
    inp['Wv'] = jax.random.normal(ks[7], (D, H * C), dtype=jnp.float32) * s
    inp['bv'] = jnp.zeros((H * C,), dtype=jnp.float32)
    inp['We'] = jax.random.normal(ks[8], (D, H * C), dtype=jnp.float32) * s
    inp['Wskip'] = jax.random.normal(ks[9], (D, H * C), dtype=jnp.float32) * s
    inp['bskip'] = jnp.zeros((H * C,), dtype=jnp.float32)
    inp['Wbeta'] = jax.random.normal(ks[10], (3 * H * C, 1), dtype=jnp.float32) * s
    return inp


def _segment_softmax(logits, seg, num_segments):
    m = jax.ops.segment_max(logits, seg, num_segments=num_segments)
    m = jnp.where(jnp.isneginf(m), 0.0, m)
    ex = jnp.exp(logits - m[seg])
    den = jax.ops.segment_sum(ex, seg, num_segments=num_segments)
    return ex / (den[seg] + 1e-16)


def reference(x, edge_index, edge_attr, W_e1, b_e1, W_e2, b_e2, Wq, bq, Wk, bk, Wv, bv, We, Wskip, bskip, Wbeta):
    # edge encoder MLP: Linear -> LeakyReLU(0.15) -> Linear
    h = jax.nn.leaky_relu(edge_attr @ W_e1 + b_e1, negative_slope=0.15)
    emb = h @ W_e2 + b_e2  # [E, D]
    src = edge_index[0]
    dst = edge_index[1]
    q = (x @ Wq + bq).reshape(N, H, C)
    k = (x @ Wk + bk).reshape(N, H, C)
    v = (x @ Wv + bv).reshape(N, H, C)
    e = (emb @ We).reshape(E, H, C)
    k_j = k[src] + e  # [E, H, C]
    alpha = jnp.sum(q[dst] * k_j, axis=-1) / jnp.sqrt(jnp.float32(C))  # [E, H]
    alpha = _segment_softmax(alpha, dst, N)
    msg = (v[src] + e) * alpha[:, :, None]  # [E, H, C]
    out = jax.ops.segment_sum(msg, dst, num_segments=N)  # [N, H, C]
    out = out.reshape(N, H * C)
    x_r = x @ Wskip + bskip
    beta = jax.nn.sigmoid(jnp.concatenate([out, x_r, out - x_r], axis=-1) @ Wbeta)  # [N, 1]
    out = beta * x_r + (1.0 - beta) * out
    return out

if __name__ == "__main__":
    import jax
    _d = setup_inputs()
    print(jax.jit(kernel)(*tuple(_d.values())))

</pallas_src>

<mosaic_0001>
#map = affine_map<(d0, d1) -> (0, 0)>
#map1 = affine_map<(d0, d1) -> (0)>
module attributes {stable_mosaic.version = 14 : i64} {
  func.func @_sc_body(%arg0: i32, %arg1: i32, %arg2: memref<10000x128xf32, #tpu.memory_space<hbm>>, %arg3: memref<10000x128xf32, #tpu.memory_space<hbm>>, %arg4: memref<10000x128xf32, #tpu.memory_space<hbm>>, %arg5: memref<320000x128xf32, #tpu.memory_space<hbm>>, %arg6: memref<320000xi32, #tpu.memory_space<hbm>>, %arg7: memref<320000xi32, #tpu.memory_space<hbm>>, %arg8: memref<10000x128xf32, #tpu.memory_space<hbm>>, %arg9: memref<10000x128xf32, #tpu.memory_space<hbm>>, %arg10: memref<10000x128xf32, #tpu.memory_space<hbm>>, %arg11: memref<10000x128xf32, #tpu.memory_space<hbm>>, %arg12: memref<16xi32, #tpu.memory_space<vmem>>, %arg13: memref<16xi32, #tpu.memory_space<vmem>>, %arg14: memref<16x128xf32, #tpu.memory_space<vmem>>, %arg15: memref<16x128xf32, #tpu.memory_space<vmem>>, %arg16: memref<16x128xf32, #tpu.memory_space<vmem>>, %arg17: memref<16x128xf32, #tpu.memory_space<vmem>>, %arg18: memref<16x144xf32, #tpu.memory_space<vmem>>, %arg19: memref<10000x144xf32, #tpu.memory_space<vmem_shared>>, %arg20: memref<!tpu.dma_semaphore, #tpu.memory_space<semaphore_mem>>, %arg21: memref<!tpu.dma_semaphore, #tpu.memory_space<semaphore_mem>>, %arg22: memref<!tpu.dma_semaphore, #tpu.memory_space<semaphore_mem>>, %arg23: memref<!tpu.dma_semaphore, #tpu.memory_space<semaphore_mem>>) attributes {dimension_semantics = [#tpu.dimension_semantics<core_parallel>, #tpu.dimension_semantics<subcore_parallel>], iteration_bounds = array<i64: 2, 16>, scalar_prefetch = 0 : i64, scratch_operands = 12 : i64, tpu.core_type = #tpu.core_type<sc_vector_subcore>, window_params = [{transform_indices = #map}, {transform_indices = #map}, {transform_indices = #map}, {transform_indices = #map}, {transform_indices = #map1}, {transform_indices = #map1}, {transform_indices = #map}, {transform_indices = #map}, {transform_indices = #map}, {transform_indices = #map}]} {
    %mul3A = arith.constant 16 : i32
    %mul3A_0 = arith.muli %arg0, %mul3A : i32
    %add3A = arith.addi %mul3A_0, %arg1 : i32
    %broadcast_in_dim3A = arith.constant 0.000000e+00 : f32
    %broadcast_in_dim3A_1 = vector.broadcast %broadcast_in_dim3A : f32 to vector<16xf32>
    %scan3A = arith.constant 0 : i32
    %scan3A_2 = arith.constant 0 : i32
    %scan3A_3 = arith.constant 16 : i32
    %scan3A_4 = arith.addi %scan3A_2, %scan3A_3 : i32
    %scan3A_5 = arith.constant 1 : i32
    %scan3A_6 = scf.for %scan3A_34 = %scan3A_2 to %scan3A_4 step %scan3A_5 iter_args(%scan3A_35 = %scan3A) -> (i32)  : i32 {
      %swap3A = arith.index_cast %scan3A_34 : i32 to index
      %swap3A_36 = arith.constant 0 : index
      %swap3A_37 = tpu.vector_load %arg18[%swap3A, %swap3A_36] {strides = array<i32>} : memref<16x144xf32, #tpu.memory_space<vmem>>, vector<16xf32>,
      tpu.vector_store %arg18[%swap3A, %swap3A_36], %broadcast_in_dim3A_1 {strides = array<i32>} : memref<16x144xf32, #tpu.memory_space<vmem>>, vector<16xf32>,
      %swap3A_38 = arith.index_cast %scan3A_34 : i32 to index
      %swap3A_39 = arith.constant 16 : index
      %swap3A_40 = tpu.vector_load %arg18[%swap3A_38, %swap3A_39] {strides = array<i32>} : memref<16x144xf32, #tpu.memory_space<vmem>>, vector<16xf32>,
      tpu.vector_store %arg18[%swap3A_38, %swap3A_39], %broadcast_in_dim3A_1 {strides = array<i32>} : memref<16x144xf32, #tpu.memory_space<vmem>>, vector<16xf32>,
      %swap3A_41 = arith.index_cast %scan3A_34 : i32 to index
      %swap3A_42 = arith.constant 32 : index
      %swap3A_43 = tpu.vector_load %arg18[%swap3A_41, %swap3A_42] {strides = array<i32>} : memref<16x144xf32, #tpu.memory_space<vmem>>, vector<16xf32>,
      tpu.vector_store %arg18[%swap3A_41, %swap3A_42], %broadcast_in_dim3A_1 {strides = array<i32>} : memref<16x144xf32, #tpu.memory_space<vmem>>, vector<16xf32>,
      %swap3A_44 = arith.index_cast %scan3A_34 : i32 to index
      %swap3A_45 = arith.constant 48 : index
      %swap3A_46 = tpu.vector_load %arg18[%swap3A_44, %swap3A_45] {strides = array<i32>} : memref<16x144xf32, #tpu.memory_space<vmem>>, vector<16xf32>,
      tpu.vector_store %arg18[%swap3A_44, %swap3A_45], %broadcast_in_dim3A_1 {strides = array<i32>} : memref<16x144xf32, #tpu.memory_space<vmem>>, vector<16xf32>,
      %swap3A_47 = arith.index_cast %scan3A_34 : i32 to index
      %swap3A_48 = arith.constant 64 : index
      %swap3A_49 = tpu.vector_load %arg18[%swap3A_47, %swap3A_48] {strides = array<i32>} : memref<16x144xf32, #tpu.memory_space<vmem>>, vector<16xf32>,
      tpu.vector_store %arg18[%swap3A_47, %swap3A_48], %broadcast_in_dim3A_1 {strides = array<i32>} : memref<16x144xf32, #tpu.memory_space<vmem>>, vector<16xf32>,
      %swap3A_50 = arith.index_cast %scan3A_34 : i32 to index
      %swap3A_51 = arith.constant 80 : index
      %swap3A_52 = tpu.vector_load %arg18[%swap3A_50, %swap3A_51] {strides = array<i32>} : memref<16x144xf32, #tpu.memory_space<vmem>>, vector<16xf32>,
      tpu.vector_store %arg18[%swap3A_50, %swap3A_51], %broadcast_in_dim3A_1 {strides = array<i32>} : memref<16x144xf32, #tpu.memory_space<vmem>>, vector<16xf32>,
      %swap3A_53 = arith.index_cast %scan3A_34 : i32 to index
      %swap3A_54 = arith.constant 96 : index
      %swap3A_55 = tpu.vector_load %arg18[%swap3A_53, %swap3A_54] {strides = array<i32>} : memref<16x144xf32, #tpu.memory_space<vmem>>, vector<16xf32>,
      tpu.vector_store %arg18[%swap3A_53, %swap3A_54], %broadcast_in_dim3A_1 {strides = array<i32>} : memref<16x144xf32, #tpu.memory_space<vmem>>, vector<16xf32>,
      %swap3A_56 = arith.index_cast %scan3A_34 : i32 to index
      %swap3A_57 = arith.constant 112 : index
      %swap3A_58 = tpu.vector_load %arg18[%swap3A_56, %swap3A_57] {strides = array<i32>} : memref<16x144xf32, #tpu.memory_space<vmem>>, vector<16xf32>,
      tpu.vector_store %arg18[%swap3A_56, %swap3A_57], %broadcast_in_dim3A_1 {strides = array<i32>} : memref<16x144xf32, #tpu.memory_space<vmem>>, vector<16xf32>,
      %swap3A_59 = arith.index_cast %scan3A_34 : i32 to index
      %swap3A_60 = arith.constant 128 : index
      %swap3A_61 = tpu.vector_load %arg18[%swap3A_59, %swap3A_60] {strides = array<i32>} : memref<16x144xf32, #tpu.memory_space<vmem>>, vector<16xf32>,
      tpu.vector_store %arg18[%swap3A_59, %swap3A_60], %broadcast_in_dim3A_1 {strides = array<i32>} : memref<16x144xf32, #tpu.memory_space<vmem>>, vector<16xf32>,
      %scan3A_62 = arith.constant 0 : i32
      scf.yield %scan3A_62 : i32
    }
    %scan3A_7 = arith.constant 16 : i32
    %scan3A_8 = arith.constant 0 : i32
    %scan3A_9 = arith.constant 0 : i32
    %scan3A_10 = arith.constant 125 : i32
    %scan3A_11 = arith.addi %scan3A_9, %scan3A_10 : i32
    %scan3A_12 = arith.constant 1 : i32
    %scan3A_13 = scf.for %scan3A_34 = %scan3A_9 to %scan3A_11 step %scan3A_12 iter_args(%scan3A_35 = %scan3A_8) -> (i32)  : i32 {
      %mul3A_36 = arith.constant 625 : i32
      %mul3A_37 = arith.muli %arg1, %mul3A_36 : i32
      %mul3A_38 = arith.constant 5 : i32
      %mul3A_39 = arith.muli %scan3A_34, %mul3A_38 : i32
      %add3A_40 = arith.addi %mul3A_37, %mul3A_39 : i32
      "tpu.region"() ({
        %run_scoped3A = tpu.sem_alloc : memref<!tpu.dma_semaphore, #tpu.memory_space<semaphore_mem>>
        %dma_start3A = arith.constant 0 : i32
        %dma_start3A_42 = arith.constant 0 : i32
        %dma_start3A_43 = tpu.memref_slice %arg18[%dma_start3A, %dma_start3A_42] : memref<16x144xf32, #tpu.memory_space<vmem>> -> memref<5x144xf32, #tpu.memory_space<vmem>>
        %dma_start3A_44 = arith.constant 0 : i32
        %dma_start3A_45 = tpu.memref_slice %arg19[%add3A_40, %dma_start3A_44] : memref<10000x144xf32, #tpu.memory_space<vmem_shared>> -> memref<5x144xf32, #tpu.memory_space<vmem_shared>>
        %dma_start3A_46 = arith.constant 0 : i32
        %dma_start3A_47 = tpu.memref_slice %arg19[%add3A_40, %dma_start3A_46] : memref<10000x144xf32, #tpu.memory_space<vmem_shared>> -> memref<5x144xf32, #tpu.memory_space<vmem_shared>>
        %dma_start3A_48 = arith.constant 0 : i32
        %dma_start3A_49 = arith.constant 0 : i32
        %dma_start3A_50 = tpu.memref_slice %arg18[%dma_start3A_48, %dma_start3A_49] : memref<16x144xf32, #tpu.memory_space<vmem>> -> memref<5x144xf32, #tpu.memory_space<vmem>>
        tpu.enqueue_dma source(%dma_start3A_50 : memref<5x144xf32, #tpu.memory_space<vmem>>) target(%dma_start3A_47 : memref<5x144xf32, #tpu.memory_space<vmem_shared>>) target_semaphore(%run_scoped3A : memref<!tpu.dma_semaphore, #tpu.memory_space<semaphore_mem>>)
        %dma_wait3A = arith.constant 0 : i32
        %dma_wait3A_51 = arith.constant 0 : i32
        %dma_wait3A_52 = tpu.memref_slice %arg18[%dma_wait3A, %dma_wait3A_51] : memref<16x144xf32, #tpu.memory_space<vmem>> -> memref<5x144xf32, #tpu.memory_space<vmem>>
        %dma_wait3A_53 = arith.constant 0 : i32
        %dma_wait3A_54 = tpu.memref_slice %arg19[%add3A_40, %dma_wait3A_53] : memref<10000x144xf32, #tpu.memory_space<vmem_shared>> -> memref<5x144xf32, #tpu.memory_space<vmem_shared>>
        %dma_wait3A_55 = arith.constant 0 : i32
        %dma_wait3A_56 = tpu.memref_slice %arg19[%add3A_40, %dma_wait3A_55] : memref<10000x144xf32, #tpu.memory_space<vmem_shared>> -> memref<5x144xf32, #tpu.memory_space<vmem_shared>>
        %dma_wait3A_57 = arith.constant 0 : i32
        %dma_wait3A_58 = arith.constant 0 : i32
        %dma_wait3A_59 = tpu.memref_slice %arg18[%dma_wait3A_57, %dma_wait3A_58] : memref<16x144xf32, #tpu.memory_space<vmem>> -> memref<5x144xf32, #tpu.memory_space<vmem>>
        tpu.wait_dma2 semaphore(%run_scoped3A : memref<!tpu.dma_semaphore, #tpu.memory_space<semaphore_mem>>) src(%dma_wait3A_59 : memref<5x144xf32, #tpu.memory_space<vmem>>) dst(%dma_wait3A_56 : memref<5x144xf32, #tpu.memory_space<vmem_shared>>)
        tpu.yield
      }) : () -> ()
      %scan3A_41 = arith.constant 0 : i32
      scf.yield %scan3A_41 : i32
    }
    %scan3A_14 = arith.constant 125 : i32
    %barrier3A = arith.constant 0 : index
    tpu.barrier barrier_id(%barrier3A)
    %mul3A_15 = arith.constant 10000 : i32
    %mul3A_16 = arith.muli %add3A, %mul3A_15 : i32
    %iota3A = tpu.iota {dimensions = array<i32: 0>} : vector<16xi32>
    %scan3A_17 = arith.constant 0 : i32
    %scan3A_18 = arith.constant 0 : i32
    %scan3A_19 = arith.constant 625 : i32
    %scan3A_20 = arith.addi %scan3A_18, %scan3A_19 : i32
    %scan3A_21 = arith.constant 1 : i32
    %scan3A_22 = scf.for %scan3A_34 = %scan3A_18 to %scan3A_20 step %scan3A_21 iter_args(%scan3A_35 = %scan3A_17) -> (i32)  : i32 {
      %mul3A_36 = arith.constant 16 : i32
      %mul3A_37 = arith.muli %scan3A_34, %mul3A_36 : i32
      %add3A_38 = arith.addi %mul3A_16, %mul3A_37 : i32
      %dma_start3A = arith.constant 0 : i32
      %dma_start3A_39 = tpu.memref_slice %arg5[%add3A_38, %dma_start3A] : memref<320000x128xf32, #tpu.memory_space<hbm>> -> memref<16x128xf32, #tpu.memory_space<hbm>>
      %dma_start3A_40 = arith.constant 0 : i32
      %dma_start3A_41 = tpu.memref_slice %arg5[%add3A_38, %dma_start3A_40] : memref<320000x128xf32, #tpu.memory_space<hbm>> -> memref<16x128xf32, #tpu.memory_space<hbm>>
      tpu.enqueue_dma source(%dma_start3A_41 : memref<16x128xf32, #tpu.memory_space<hbm>>) target(%arg17 : memref<16x128xf32, #tpu.memory_space<vmem>>) target_semaphore(%arg20 : memref<!tpu.dma_semaphore, #tpu.memory_space<semaphore_mem>>)
      "tpu.region"() ({
        %run_scoped3A = tpu.sem_alloc : memref<!tpu.dma_semaphore, #tpu.memory_space<semaphore_mem>>
        %dma_start3A_71 = tpu.memref_slice %arg6[%add3A_38] : memref<320000xi32, #tpu.memory_space<hbm>> -> memref<16xi32, #tpu.memory_space<hbm>>
        %dma_start3A_72 = tpu.memref_slice %arg6[%add3A_38] : memref<320000xi32, #tpu.memory_space<hbm>> -> memref<16xi32, #tpu.memory_space<hbm>>
        tpu.enqueue_dma source(%dma_start3A_72 : memref<16xi32, #tpu.memory_space<hbm>>) target(%arg12 : memref<16xi32, #tpu.memory_space<vmem>>) target_semaphore(%run_scoped3A : memref<!tpu.dma_semaphore, #tpu.memory_space<semaphore_mem>>)
        %dma_wait3A_73 = tpu.memref_slice %arg6[%add3A_38] : memref<320000xi32, #tpu.memory_space<hbm>> -> memref<16xi32, #tpu.memory_space<hbm>>
        %dma_wait3A_74 = tpu.memref_slice %arg6[%add3A_38] : memref<320000xi32, #tpu.memory_space<hbm>> -> memref<16xi32, #tpu.memory_space<hbm>>
        tpu.wait_dma2 semaphore(%run_scoped3A : memref<!tpu.dma_semaphore, #tpu.memory_space<semaphore_mem>>) src(%dma_wait3A_74 : memref<16xi32, #tpu.memory_space<hbm>>) dst(%arg12 : memref<16xi32, #tpu.memory_space<vmem>>)
        tpu.yield
      }) : () -> ()
      "tpu.region"() ({
        %run_scoped3A = tpu.sem_alloc : memref<!tpu.dma_semaphore, #tpu.memory_space<semaphore_mem>>
        %dma_start3A_71 = tpu.memref_slice %arg7[%add3A_38] : memref<320000xi32, #tpu.memory_space<hbm>> -> memref<16xi32, #tpu.memory_space<hbm>>
        %dma_start3A_72 = tpu.memref_slice %arg7[%add3A_38] : memref<320000xi32, #tpu.memory_space<hbm>> -> memref<16xi32, #tpu.memory_space<hbm>>
        tpu.enqueue_dma source(%dma_start3A_72 : memref<16xi32, #tpu.memory_space<hbm>>) target(%arg13 : memref<16xi32, #tpu.memory_space<vmem>>) target_semaphore(%run_scoped3A : memref<!tpu.dma_semaphore, #tpu.memory_space<semaphore_mem>>)
        %dma_wait3A_73 = tpu.memref_slice %arg7[%add3A_38] : memref<320000xi32, #tpu.memory_space<hbm>> -> memref<16xi32, #tpu.memory_space<hbm>>
        %dma_wait3A_74 = tpu.memref_slice %arg7[%add3A_38] : memref<320000xi32, #tpu.memory_space<hbm>> -> memref<16xi32, #tpu.memory_space<hbm>>
        tpu.wait_dma2 semaphore(%run_scoped3A : memref<!tpu.dma_semaphore, #tpu.memory_space<semaphore_mem>>) src(%dma_wait3A_74 : memref<16xi32, #tpu.memory_space<hbm>>) dst(%arg13 : memref<16xi32, #tpu.memory_space<vmem>>)
        tpu.yield
      }) : () -> ()
      %dma_start3A_42 = arith.constant 0 : i32
      %dma_start3A_43 = arith.constant 0 : i32
      %dma_start3A_44 = tpu.memref_slice %arg3[%dma_start3A_42, %dma_start3A_43] : memref<10000x128xf32, #tpu.memory_space<hbm>> -> memref<10000x128xf32, #tpu.memory_space<hbm>>
      tpu.enqueue_indirect_dma source(%dma_start3A_44 : memref<10000x128xf32, #tpu.memory_space<hbm>>) target(%arg15 : memref<16x128xf32, #tpu.memory_space<vmem>>) offsets(%arg12 : memref<16xi32, #tpu.memory_space<vmem>>) semaphore(%arg21 : memref<!tpu.dma_semaphore, #tpu.memory_space<semaphore_mem>>)
      %dma_start3A_45 = arith.constant 0 : i32
      %dma_start3A_46 = arith.constant 0 : i32
      %dma_start3A_47 = tpu.memref_slice %arg4[%dma_start3A_45, %dma_start3A_46] : memref<10000x128xf32, #tpu.memory_space<hbm>> -> memref<10000x128xf32, #tpu.memory_space<hbm>>
      tpu.enqueue_indirect_dma source(%dma_start3A_47 : memref<10000x128xf32, #tpu.memory_space<hbm>>) target(%arg16 : memref<16x128xf32, #tpu.memory_space<vmem>>) offsets(%arg12 : memref<16xi32, #tpu.memory_space<vmem>>) semaphore(%arg22 : memref<!tpu.dma_semaphore, #tpu.memory_space<semaphore_mem>>)
      %dma_start3A_48 = arith.constant 0 : i32
      %dma_start3A_49 = arith.constant 0 : i32
      %dma_start3A_50 = tpu.memref_slice %arg2[%dma_start3A_48, %dma_start3A_49] : memref<10000x128xf32, #tpu.memory_space<hbm>> -> memref<10000x128xf32, #tpu.memory_space<hbm>>
      tpu.enqueue_indirect_dma source(%dma_start3A_50 : memref<10000x128xf32, #tpu.memory_space<hbm>>) target(%arg14 : memref<16x128xf32, #tpu.memory_space<vmem>>) offsets(%arg13 : memref<16xi32, #tpu.memory_space<vmem>>) semaphore(%arg23 : memref<!tpu.dma_semaphore, #tpu.memory_space<semaphore_mem>>)
      %dma_wait3A = arith.constant 0 : i32
      %dma_wait3A_51 = tpu.memref_slice %arg5[%add3A_38, %dma_wait3A] : memref<320000x128xf32, #tpu.memory_space<hbm>> -> memref<16x128xf32, #tpu.memory_space<hbm>>
      %dma_wait3A_52 = arith.constant 0 : i32
      %dma_wait3A_53 = tpu.memref_slice %arg5[%add3A_38, %dma_wait3A_52] : memref<320000x128xf32, #tpu.memory_space<hbm>> -> memref<16x128xf32, #tpu.memory_space<hbm>>
      tpu.wait_dma2 semaphore(%arg20 : memref<!tpu.dma_semaphore, #tpu.memory_space<semaphore_mem>>) src(%dma_wait3A_53 : memref<16x128xf32, #tpu.memory_space<hbm>>) dst(%arg17 : memref<16x128xf32, #tpu.memory_space<vmem>>)
      %dma_wait3A_54 = arith.constant 0 : i32
      %dma_wait3A_55 = arith.constant 0 : i32
      %dma_wait3A_56 = tpu.memref_slice %arg3[%dma_wait3A_54, %dma_wait3A_55] : memref<10000x128xf32, #tpu.memory_space<hbm>> -> memref<10000x128xf32, #tpu.memory_space<hbm>>
      tpu.wait_indirect_dma semaphore(%arg21 : memref<!tpu.dma_semaphore, #tpu.memory_space<semaphore_mem>>) src(%dma_wait3A_56 : memref<10000x128xf32, #tpu.memory_space<hbm>>) dst(%arg15 : memref<16x128xf32, #tpu.memory_space<vmem>>)
      %dma_wait3A_57 = arith.constant 0 : i32
      %dma_wait3A_58 = arith.constant 0 : i32
      %dma_wait3A_59 = tpu.memref_slice %arg4[%dma_wait3A_57, %dma_wait3A_58] : memref<10000x128xf32, #tpu.memory_space<hbm>> -> memref<10000x128xf32, #tpu.memory_space<hbm>>
      tpu.wait_indirect_dma semaphore(%arg22 : memref<!tpu.dma_semaphore, #tpu.memory_space<semaphore_mem>>) src(%dma_wait3A_59 : memref<10000x128xf32, #tpu.memory_space<hbm>>) dst(%arg16 : memref<16x128xf32, #tpu.memory_space<vmem>>)
      %dma_wait3A_60 = arith.constant 0 : i32
      %dma_wait3A_61 = arith.constant 0 : i32
      %dma_wait3A_62 = tpu.memref_slice %arg2[%dma_wait3A_60, %dma_wait3A_61] : memref<10000x128xf32, #tpu.memory_space<hbm>> -> memref<10000x128xf32, #tpu.memory_space<hbm>>
      tpu.wait_indirect_dma semaphore(%arg23 : memref<!tpu.dma_semaphore, #tpu.memory_space<semaphore_mem>>) src(%dma_wait3A_62 : memref<10000x128xf32, #tpu.memory_space<hbm>>) dst(%arg14 : memref<16x128xf32, #tpu.memory_space<vmem>>)
      %scan3A_63 = arith.constant 0 : i32
      %scan3A_64 = arith.constant 0 : i32
      %scan3A_65 = arith.constant 16 : i32
      %scan3A_66 = arith.addi %scan3A_64, %scan3A_65 : i32
      %scan3A_67 = arith.constant 1 : i32
      %scan3A_68 = scf.for %scan3A_71 = %scan3A_64 to %scan3A_66 step %scan3A_67 iter_args(%scan3A_72 = %scan3A_63) -> (i32)  : i32 {
        %get3A = arith.index_cast %scan3A_71 : i32 to index
        %get3A_73 = arith.constant 0 : index
        %get3A_74 = tpu.vector_load %arg17[%get3A, %get3A_73] {strides = array<i32>} : memref<16x128xf32, #tpu.memory_space<vmem>>, vector<16xf32>,
        %get3A_75 = arith.index_cast %scan3A_71 : i32 to index
        %get3A_76 = arith.constant 16 : index
        %get3A_77 = tpu.vector_load %arg17[%get3A_75, %get3A_76] {strides = array<i32>} : memref<16x128xf32, #tpu.memory_space<vmem>>, vector<16xf32>,
        %get3A_78 = arith.index_cast %scan3A_71 : i32 to index
        %get3A_79 = arith.constant 32 : index
        %get3A_80 = tpu.vector_load %arg17[%get3A_78, %get3A_79] {strides = array<i32>} : memref<16x128xf32, #tpu.memory_space<vmem>>, vector<16xf32>,
        %get3A_81 = arith.index_cast %scan3A_71 : i32 to index
        %get3A_82 = arith.constant 48 : index
        %get3A_83 = tpu.vector_load %arg17[%get3A_81, %get3A_82] {strides = array<i32>} : memref<16x128xf32, #tpu.memory_space<vmem>>, vector<16xf32>,
        %get3A_84 = arith.index_cast %scan3A_71 : i32 to index
        %get3A_85 = arith.constant 64 : index
        %get3A_86 = tpu.vector_load %arg17[%get3A_84, %get3A_85] {strides = array<i32>} : memref<16x128xf32, #tpu.memory_space<vmem>>, vector<16xf32>,
        %get3A_87 = arith.index_cast %scan3A_71 : i32 to index
        %get3A_88 = arith.constant 80 : index
        %get3A_89 = tpu.vector_load %arg17[%get3A_87, %get3A_88] {strides = array<i32>} : memref<16x128xf32, #tpu.memory_space<vmem>>, vector<16xf32>,
        %get3A_90 = arith.index_cast %scan3A_71 : i32 to index
        %get3A_91 = arith.constant 96 : index
        %get3A_92 = tpu.vector_load %arg17[%get3A_90, %get3A_91] {strides = array<i32>} : memref<16x128xf32, #tpu.memory_space<vmem>>, vector<16xf32>,
        %get3A_93 = arith.index_cast %scan3A_71 : i32 to index
        %get3A_94 = arith.constant 112 : index
        %get3A_95 = tpu.vector_load %arg17[%get3A_93, %get3A_94] {strides = array<i32>} : memref<16x128xf32, #tpu.memory_space<vmem>>, vector<16xf32>,
        %get3A_96 = arith.index_cast %scan3A_71 : i32 to index
        %get3A_97 = arith.constant 0 : index
        %get3A_98 = tpu.vector_load %arg14[%get3A_96, %get3A_97] {strides = array<i32>} : memref<16x128xf32, #tpu.memory_space<vmem>>, vector<16xf32>,
        %get3A_99 = arith.index_cast %scan3A_71 : i32 to index
        %get3A_100 = arith.constant 0 : index
        %get3A_101 = tpu.vector_load %arg15[%get3A_99, %get3A_100] {strides = array<i32>} : memref<16x128xf32, #tpu.memory_space<vmem>>, vector<16xf32>,
        %add3A_102 = arith.addf %get3A_101, %get3A_74 : vector<16xf32>
        %mul3A_103 = arith.mulf %get3A_98, %add3A_102 : vector<16xf32>
        %get3A_104 = arith.index_cast %scan3A_71 : i32 to index
        %get3A_105 = arith.constant 16 : index
        %get3A_106 = tpu.vector_load %arg14[%get3A_104, %get3A_105] {strides = array<i32>} : memref<16x128xf32, #tpu.memory_space<vmem>>, vector<16xf32>,
        %get3A_107 = arith.index_cast %scan3A_71 : i32 to index
        %get3A_108 = arith.constant 16 : index
        %get3A_109 = tpu.vector_load %arg15[%get3A_107, %get3A_108] {strides = array<i32>} : memref<16x128xf32, #tpu.memory_space<vmem>>, vector<16xf32>,
        %add3A_110 = arith.addf %get3A_109, %get3A_77 : vector<16xf32>
        %mul3A_111 = arith.mulf %get3A_106, %add3A_110 : vector<16xf32>
        %get3A_112 = arith.index_cast %scan3A_71 : i32 to index
        %get3A_113 = arith.constant 32 : index
        %get3A_114 = tpu.vector_load %arg14[%get3A_112, %get3A_113] {strides = array<i32>} : memref<16x128xf32, #tpu.memory_space<vmem>>, vector<16xf32>,
        %get3A_115 = arith.index_cast %scan3A_71 : i32 to index
        %get3A_116 = arith.constant 32 : index
        %get3A_117 = tpu.vector_load %arg15[%get3A_115, %get3A_116] {strides = array<i32>} : memref<16x128xf32, #tpu.memory_space<vmem>>, vector<16xf32>,
        %add3A_118 = arith.addf %get3A_117, %get3A_80 : vector<16xf32>
        %mul3A_119 = arith.mulf %get3A_114, %add3A_118 : vector<16xf32>
        %get3A_120 = arith.index_cast %scan3A_71 : i32 to index
        %get3A_121 = arith.constant 48 : index
        %get3A_122 = tpu.vector_load %arg14[%get3A_120, %get3A_121] {strides = array<i32>} : memref<16x128xf32, #tpu.memory_space<vmem>>, vector<16xf32>,
        %get3A_123 = arith.index_cast %scan3A_71 : i32 to index
        %get3A_124 = arith.constant 48 : index
        %get3A_125 = tpu.vector_load %arg15[%get3A_123, %get3A_124] {strides = array<i32>} : memref<16x128xf32, #tpu.memory_space<vmem>>, vector<16xf32>,
        %add3A_126 = arith.addf %get3A_125, %get3A_83 : vector<16xf32>
        %mul3A_127 = arith.mulf %get3A_122, %add3A_126 : vector<16xf32>
        %get3A_128 = arith.index_cast %scan3A_71 : i32 to index
        %get3A_129 = arith.constant 64 : index
        %get3A_130 = tpu.vector_load %arg14[%get3A_128, %get3A_129] {strides = array<i32>} : memref<16x128xf32, #tpu.memory_space<vmem>>, vector<16xf32>,
        %get3A_131 = arith.index_cast %scan3A_71 : i32 to index
        %get3A_132 = arith.constant 64 : index
        %get3A_133 = tpu.vector_load %arg15[%get3A_131, %get3A_132] {strides = array<i32>} : memref<16x128xf32, #tpu.memory_space<vmem>>, vector<16xf32>,
        %add3A_134 = arith.addf %get3A_133, %get3A_86 : vector<16xf32>
        %mul3A_135 = arith.mulf %get3A_130, %add3A_134 : vector<16xf32>
        %get3A_136 = arith.index_cast %scan3A_71 : i32 to index
        %get3A_137 = arith.constant 80 : index
        %get3A_138 = tpu.vector_load %arg14[%get3A_136, %get3A_137] {strides = array<i32>} : memref<16x128xf32, #tpu.memory_space<vmem>>, vector<16xf32>,
        %get3A_139 = arith.index_cast %scan3A_71 : i32 to index
        %get3A_140 = arith.constant 80 : index
        %get3A_141 = tpu.vector_load %arg15[%get3A_139, %get3A_140] {strides = array<i32>} : memref<16x128xf32, #tpu.memory_space<vmem>>, vector<16xf32>,
        %add3A_142 = arith.addf %get3A_141, %get3A_89 : vector<16xf32>
        %mul3A_143 = arith.mulf %get3A_138, %add3A_142 : vector<16xf32>
        %get3A_144 = arith.index_cast %scan3A_71 : i32 to index
        %get3A_145 = arith.constant 96 : index
        %get3A_146 = tpu.vector_load %arg14[%get3A_144, %get3A_145] {strides = array<i32>} : memref<16x128xf32, #tpu.memory_space<vmem>>, vector<16xf32>,
        %get3A_147 = arith.index_cast %scan3A_71 : i32 to index
        %get3A_148 = arith.constant 96 : index
        %get3A_149 = tpu.vector_load %arg15[%get3A_147, %get3A_148] {strides = array<i32>} : memref<16x128xf32, #tpu.memory_space<vmem>>, vector<16xf32>,
        %add3A_150 = arith.addf %get3A_149, %get3A_92 : vector<16xf32>
        %mul3A_151 = arith.mulf %get3A_146, %add3A_150 : vector<16xf32>
        %get3A_152 = arith.index_cast %scan3A_71 : i32 to index
        %get3A_153 = arith.constant 112 : index
        %get3A_154 = tpu.vector_load %arg14[%get3A_152, %get3A_153] {strides = array<i32>} : memref<16x128xf32, #tpu.memory_space<vmem>>, vector<16xf32>,
        %get3A_155 = arith.index_cast %scan3A_71 : i32 to index
        %get3A_156 = arith.constant 112 : index
        %get3A_157 = tpu.vector_load %arg15[%get3A_155, %get3A_156] {strides = array<i32>} : memref<16x128xf32, #tpu.memory_space<vmem>>, vector<16xf32>,
        %add3A_158 = arith.addf %get3A_157, %get3A_95 : vector<16xf32>
        %mul3A_159 = arith.mulf %get3A_154, %add3A_158 : vector<16xf32>
        %add3A_160 = arith.addf %mul3A_103, %mul3A_111 : vector<16xf32>
        %reduce_sum3A = arith.constant true
        %reduce_sum3A_161 = vector.broadcast %reduce_sum3A : i1 to vector<16xi1>
        %reduce_sum3A_162 = tpu.scan <sum>, %add3A_160 masked %reduce_sum3A_161 : vector<16xf32>, vector<16xi1> -> vector<16xf32>
        %reduce_sum3A_163 = vector.extract %reduce_sum3A_162[15] : f32 from vector<16xf32>
        %mul3A_164 = arith.constant 0.176776692 : f32
        %mul3A_165 = arith.mulf %reduce_sum3A_163, %mul3A_164 : f32
        %broadcast_in_dim3A_166 = vector.broadcast %mul3A_165 : f32 to vector<16xf32>
        %exp3A = math.exp %broadcast_in_dim3A_166 : vector<16xf32>
        %get3A_167 = arith.index_cast %scan3A_71 : i32 to index
        %get3A_168 = arith.constant 0 : index
        %get3A_169 = tpu.vector_load %arg16[%get3A_167, %get3A_168] {strides = array<i32>} : memref<16x128xf32, #tpu.memory_space<vmem>>, vector<16xf32>,
        %add3A_170 = arith.addf %get3A_169, %get3A_74 : vector<16xf32>
        %mul3A_171 = arith.mulf %add3A_170, %exp3A : vector<16xf32>
        %swap3A = arith.index_cast %scan3A_71 : i32 to index
        %swap3A_172 = arith.constant 0 : index
        %swap3A_173 = tpu.vector_load %arg18[%swap3A, %swap3A_172] {strides = array<i32>} : memref<16x144xf32, #tpu.memory_space<vmem>>, vector<16xf32>,
        tpu.vector_store %arg18[%swap3A, %swap3A_172], %mul3A_171 {strides = array<i32>} : memref<16x144xf32, #tpu.memory_space<vmem>>, vector<16xf32>,
        %get3A_174 = arith.index_cast %scan3A_71 : i32 to index
        %get3A_175 = arith.constant 16 : index
        %get3A_176 = tpu.vector_load %arg16[%get3A_174, %get3A_175] {strides = array<i32>} : memref<16x128xf32, #tpu.memory_space<vmem>>, vector<16xf32>,
        %add3A_177 = arith.addf %get3A_176, %get3A_77 : vector<16xf32>
        %mul3A_178 = arith.mulf %add3A_177, %exp3A : vector<16xf32>
        %swap3A_179 = arith.index_cast %scan3A_71 : i32 to index
        %swap3A_180 = arith.constant 16 : index
        %swap3A_181 = tpu.vector_load %arg18[%swap3A_179, %swap3A_180] {strides = array<i32>} : memref<16x144xf32, #tpu.memory_space<vmem>>, vector<16xf32>,
        tpu.vector_store %arg18[%swap3A_179, %swap3A_180], %mul3A_178 {strides = array<i32>} : memref<16x144xf32, #tpu.memory_space<vmem>>, vector<16xf32>,
        %eq3A_182 = arith.constant 0 : i32
        %eq3A_183 = vector.broadcast %eq3A_182 : i32 to vector<16xi32>
        %eq3A_184 = arith.cmpi eq, %iota3A, %eq3A_183 : vector<16xi32>
        %select_n3A = arith.select %eq3A_184, %exp3A, %broadcast_in_dim3A_1 : vector<16xi1>, vector<16xf32>
        %add3A_185 = arith.addf %mul3A_119, %mul3A_127 : vector<16xf32>
        %reduce_sum3A_186 = arith.constant true
        %reduce_sum3A_187 = vector.broadcast %reduce_sum3A_186 : i1 to vector<16xi1>
        %reduce_sum3A_188 = tpu.scan <sum>, %add3A_185 masked %reduce_sum3A_187 : vector<16xf32>, vector<16xi1> -> vector<16xf32>
        %reduce_sum3A_189 = vector.extract %reduce_sum3A_188[15] : f32 from vector<16xf32>
        %mul3A_190 = arith.constant 0.176776692 : f32
        %mul3A_191 = arith.mulf %reduce_sum3A_189, %mul3A_190 : f32
        %broadcast_in_dim3A_192 = vector.broadcast %mul3A_191 : f32 to vector<16xf32>
        %exp3A_193 = math.exp %broadcast_in_dim3A_192 : vector<16xf32>
        %get3A_194 = arith.index_cast %scan3A_71 : i32 to index
        %get3A_195 = arith.constant 32 : index
        %get3A_196 = tpu.vector_load %arg16[%get3A_194, %get3A_195] {strides = array<i32>} : memref<16x128xf32, #tpu.memory_space<vmem>>, vector<16xf32>,
        %add3A_197 = arith.addf %get3A_196, %get3A_80 : vector<16xf32>
        %mul3A_198 = arith.mulf %add3A_197, %exp3A_193 : vector<16xf32>
        %swap3A_199 = arith.index_cast %scan3A_71 : i32 to index
        %swap3A_200 = arith.constant 32 : index
        %swap3A_201 = tpu.vector_load %arg18[%swap3A_199, %swap3A_200] {strides = array<i32>} : memref<16x144xf32, #tpu.memory_space<vmem>>, vector<16xf32>,
        tpu.vector_store %arg18[%swap3A_199, %swap3A_200], %mul3A_198 {strides = array<i32>} : memref<16x144xf32, #tpu.memory_space<vmem>>, vector<16xf32>,
        %get3A_202 = arith.index_cast %scan3A_71 : i32 to index
        %get3A_203 = arith.constant 48 : index
        %get3A_204 = tpu.vector_load %arg16[%get3A_202, %get3A_203] {strides = array<i32>} : memref<16x128xf32, #tpu.memory_space<vmem>>, vector<16xf32>,
        %add3A_205 = arith.addf %get3A_204, %get3A_83 : vector<16xf32>
        %mul3A_206 = arith.mulf %add3A_205, %exp3A_193 : vector<16xf32>
        %swap3A_207 = arith.index_cast %scan3A_71 : i32 to index
        %swap3A_208 = arith.constant 48 : index
        %swap3A_209 = tpu.vector_load %arg18[%swap3A_207, %swap3A_208] {strides = array<i32>} : memref<16x144xf32, #tpu.memory_space<vmem>>, vector<16xf32>,
        tpu.vector_store %arg18[%swap3A_207, %swap3A_208], %mul3A_206 {strides = array<i32>} : memref<16x144xf32, #tpu.memory_space<vmem>>, vector<16xf32>,
        %eq3A_210 = arith.constant 1 : i32
        %eq3A_211 = vector.broadcast %eq3A_210 : i32 to vector<16xi32>
        %eq3A_212 = arith.cmpi eq, %iota3A, %eq3A_211 : vector<16xi32>
        %select_n3A_213 = arith.select %eq3A_212, %exp3A_193, %select_n3A : vector<16xi1>, vector<16xf32>
        %add3A_214 = arith.addf %mul3A_135, %mul3A_143 : vector<16xf32>
        %reduce_sum3A_215 = arith.constant true
        %reduce_sum3A_216 = vector.broadcast %reduce_sum3A_215 : i1 to vector<16xi1>
        %reduce_sum3A_217 = tpu.scan <sum>, %add3A_214 masked %reduce_sum3A_216 : vector<16xf32>, vector<16xi1> -> vector<16xf32>
        %reduce_sum3A_218 = vector.extract %reduce_sum3A_217[15] : f32 from vector<16xf32>
        %mul3A_219 = arith.constant 0.176776692 : f32
        %mul3A_220 = arith.mulf %reduce_sum3A_218, %mul3A_219 : f32
        %broadcast_in_dim3A_221 = vector.broadcast %mul3A_220 : f32 to vector<16xf32>
        %exp3A_222 = math.exp %broadcast_in_dim3A_221 : vector<16xf32>
        %get3A_223 = arith.index_cast %scan3A_71 : i32 to index
        %get3A_224 = arith.constant 64 : index
        %get3A_225 = tpu.vector_load %arg16[%get3A_223, %get3A_224] {strides = array<i32>} : memref<16x128xf32, #tpu.memory_space<vmem>>, vector<16xf32>,
        %add3A_226 = arith.addf %get3A_225, %get3A_86 : vector<16xf32>
        %mul3A_227 = arith.mulf %add3A_226, %exp3A_222 : vector<16xf32>
        %swap3A_228 = arith.index_cast %scan3A_71 : i32 to index
        %swap3A_229 = arith.constant 64 : index
        %swap3A_230 = tpu.vector_load %arg18[%swap3A_228, %swap3A_229] {strides = array<i32>} : memref<16x144xf32, #tpu.memory_space<vmem>>, vector<16xf32>,
        tpu.vector_store %arg18[%swap3A_228, %swap3A_229], %mul3A_227 {strides = array<i32>} : memref<16x144xf32, #tpu.memory_space<vmem>>, vector<16xf32>,
        %get3A_231 = arith.index_cast %scan3A_71 : i32 to index
        %get3A_232 = arith.constant 80 : index
        %get3A_233 = tpu.vector_load %arg16[%get3A_231, %get3A_232] {strides = array<i32>} : memref<16x128xf32, #tpu.memory_space<vmem>>, vector<16xf32>,
        %add3A_234 = arith.addf %get3A_233, %get3A_89 : vector<16xf32>
        %mul3A_235 = arith.mulf %add3A_234, %exp3A_222 : vector<16xf32>
        %swap3A_236 = arith.index_cast %scan3A_71 : i32 to index
        %swap3A_237 = arith.constant 80 : index
        %swap3A_238 = tpu.vector_load %arg18[%swap3A_236, %swap3A_237] {strides = array<i32>} : memref<16x144xf32, #tpu.memory_space<vmem>>, vector<16xf32>,
        tpu.vector_store %arg18[%swap3A_236, %swap3A_237], %mul3A_235 {strides = array<i32>} : memref<16x144xf32, #tpu.memory_space<vmem>>, vector<16xf32>,
        %eq3A_239 = arith.constant 2 : i32
        %eq3A_240 = vector.broadcast %eq3A_239 : i32 to vector<16xi32>
        %eq3A_241 = arith.cmpi eq, %iota3A, %eq3A_240 : vector<16xi32>
        %select_n3A_242 = arith.select %eq3A_241, %exp3A_222, %select_n3A_213 : vector<16xi1>, vector<16xf32>
        %add3A_243 = arith.addf %mul3A_151, %mul3A_159 : vector<16xf32>
        %reduce_sum3A_244 = arith.constant true
        %reduce_sum3A_245 = vector.broadcast %reduce_sum3A_244 : i1 to vector<16xi1>
        %reduce_sum3A_246 = tpu.scan <sum>, %add3A_243 masked %reduce_sum3A_245 : vector<16xf32>, vector<16xi1> -> vector<16xf32>
        %reduce_sum3A_247 = vector.extract %reduce_sum3A_246[15] : f32 from vector<16xf32>
        %mul3A_248 = arith.constant 0.176776692 : f32
        %mul3A_249 = arith.mulf %reduce_sum3A_247, %mul3A_248 : f32
        %broadcast_in_dim3A_250 = vector.broadcast %mul3A_249 : f32 to vector<16xf32>
        %exp3A_251 = math.exp %broadcast_in_dim3A_250 : vector<16xf32>
        %get3A_252 = arith.index_cast %scan3A_71 : i32 to index
        %get3A_253 = arith.constant 96 : index
        %get3A_254 = tpu.vector_load %arg16[%get3A_252, %get3A_253] {strides = array<i32>} : memref<16x128xf32, #tpu.memory_space<vmem>>, vector<16xf32>,
        %add3A_255 = arith.addf %get3A_254, %get3A_92 : vector<16xf32>
        %mul3A_256 = arith.mulf %add3A_255, %exp3A_251 : vector<16xf32>
        %swap3A_257 = arith.index_cast %scan3A_71 : i32 to index
        %swap3A_258 = arith.constant 96 : index
        %swap3A_259 = tpu.vector_load %arg18[%swap3A_257, %swap3A_258] {strides = array<i32>} : memref<16x144xf32, #tpu.memory_space<vmem>>, vector<16xf32>,
        tpu.vector_store %arg18[%swap3A_257, %swap3A_258], %mul3A_256 {strides = array<i32>} : memref<16x144xf32, #tpu.memory_space<vmem>>, vector<16xf32>,
        %get3A_260 = arith.index_cast %scan3A_71 : i32 to index
        %get3A_261 = arith.constant 112 : index
        %get3A_262 = tpu.vector_load %arg16[%get3A_260, %get3A_261] {strides = array<i32>} : memref<16x128xf32, #tpu.memory_space<vmem>>, vector<16xf32>,
        %add3A_263 = arith.addf %get3A_262, %get3A_95 : vector<16xf32>
        %mul3A_264 = arith.mulf %add3A_263, %exp3A_251 : vector<16xf32>
        %swap3A_265 = arith.index_cast %scan3A_71 : i32 to index
        %swap3A_266 = arith.constant 112 : index
        %swap3A_267 = tpu.vector_load %arg18[%swap3A_265, %swap3A_266] {strides = array<i32>} : memref<16x144xf32, #tpu.memory_space<vmem>>, vector<16xf32>,
        tpu.vector_store %arg18[%swap3A_265, %swap3A_266], %mul3A_264 {strides = array<i32>} : memref<16x144xf32, #tpu.memory_space<vmem>>, vector<16xf32>,
        %eq3A_268 = arith.constant 3 : i32
        %eq3A_269 = vector.broadcast %eq3A_268 : i32 to vector<16xi32>
        %eq3A_270 = arith.cmpi eq, %iota3A, %eq3A_269 : vector<16xi32>
        %select_n3A_271 = arith.select %eq3A_270, %exp3A_251, %select_n3A_242 : vector<16xi1>, vector<16xf32>
        %swap3A_272 = arith.index_cast %scan3A_71 : i32 to index
        %swap3A_273 = arith.constant 128 : index
        %swap3A_274 = tpu.vector_load %arg18[%swap3A_272, %swap3A_273] {strides = array<i32>} : memref<16x144xf32, #tpu.memory_space<vmem>>, vector<16xf32>,
        tpu.vector_store %arg18[%swap3A_272, %swap3A_273], %select_n3A_271 {strides = array<i32>} : memref<16x144xf32, #tpu.memory_space<vmem>>, vector<16xf32>,
        %scan3A_275 = arith.constant 0 : i32
        scf.yield %scan3A_275 : i32
      }
      %scan3A_69 = arith.constant 16 : i32
      "tpu.region"() ({
        %run_scoped3A = tpu.sem_alloc : memref<!tpu.dma_semaphore, #tpu.memory_space<semaphore_mem>>
        %dma_start3A_71 = arith.constant 0 : i32
        %dma_start3A_72 = arith.constant 0 : i32
        %dma_start3A_73 = tpu.memref_slice %arg19[%dma_start3A_71, %dma_start3A_72] : memref<10000x144xf32, #tpu.memory_space<vmem_shared>> -> memref<10000x144xf32, #tpu.memory_space<vmem_shared>>
        tpu.enqueue_indirect_dma source(%arg18 : memref<16x144xf32, #tpu.memory_space<vmem>>) target(%dma_start3A_73 : memref<10000x144xf32, #tpu.memory_space<vmem_shared>>) offsets(%arg13 : memref<16xi32, #tpu.memory_space<vmem>>) semaphore(%run_scoped3A : memref<!tpu.dma_semaphore, #tpu.memory_space<semaphore_mem>>) {add = true}
        %dma_wait3A_74 = arith.constant 0 : i32
        %dma_wait3A_75 = arith.constant 0 : i32
        %dma_wait3A_76 = tpu.memref_slice %arg19[%dma_wait3A_74, %dma_wait3A_75] : memref<10000x144xf32, #tpu.memory_space<vmem_shared>> -> memref<10000x144xf32, #tpu.memory_space<vmem_shared>>
        tpu.wait_indirect_dma semaphore(%run_scoped3A : memref<!tpu.dma_semaphore, #tpu.memory_space<semaphore_mem>>) src(%arg18 : memref<16x144xf32, #tpu.memory_space<vmem>>) dst(%dma_wait3A_76 : memref<10000x144xf32, #tpu.memory_space<vmem_shared>>)
        tpu.yield
      }) : () -> ()
      %scan3A_70 = arith.constant 0 : i32
      scf.yield %scan3A_70 : i32
    }
    %scan3A_23 = arith.constant 625 : i32
    %barrier3A_24 = arith.constant 0 : index
    tpu.barrier barrier_id(%barrier3A_24)
    %mul3A_25 = arith.constant 625 : i32
    %mul3A_26 = arith.muli %arg1, %mul3A_25 : i32
    %eq3A = arith.constant 0 : i32
    %eq3A_27 = arith.cmpi eq, %arg0, %eq3A : i32
    %convert_element_type3A = arith.extui %eq3A_27 : i1 to i32
    %cond3A = arith.constant 0 : i32
    %cond3A_28 = arith.cmpi ne, %convert_element_type3A, %cond3A : i32
    scf.if %cond3A_28 {
      "tpu.region"() ({
        %run_scoped3A = tpu.sem_alloc : memref<!tpu.dma_semaphore, #tpu.memory_space<semaphore_mem>>
        %dma_start3A = arith.constant 0 : i32
        %dma_start3A_34 = tpu.memref_slice %arg8[%mul3A_26, %dma_start3A] : memref<10000x128xf32, #tpu.memory_space<hbm>> -> memref<625x128xf32, #tpu.memory_space<hbm>>
        %dma_start3A_35 = arith.constant 0 : i32
        %dma_start3A_36 = tpu.memref_slice %arg19[%mul3A_26, %dma_start3A_35] : memref<10000x144xf32, #tpu.memory_space<vmem_shared>> -> memref<625x128xf32, #tpu.memory_space<vmem_shared>>
        tpu.enqueue_dma source(%dma_start3A_36 : memref<625x128xf32, #tpu.memory_space<vmem_shared>>) target(%dma_start3A_34 : memref<625x128xf32, #tpu.memory_space<hbm>>) target_semaphore(%run_scoped3A : memref<!tpu.dma_semaphore, #tpu.memory_space<semaphore_mem>>)
        %dma_wait3A = arith.constant 0 : i32
        %dma_wait3A_37 = tpu.memref_slice %arg8[%mul3A_26, %dma_wait3A] : memref<10000x128xf32, #tpu.memory_space<hbm>> -> memref<625x128xf32, #tpu.memory_space<hbm>>
        %dma_wait3A_38 = arith.constant 0 : i32
        %dma_wait3A_39 = tpu.memref_slice %arg19[%mul3A_26, %dma_wait3A_38] : memref<10000x144xf32, #tpu.memory_space<vmem_shared>> -> memref<625x128xf32, #tpu.memory_space<vmem_shared>>
        tpu.wait_dma2 semaphore(%run_scoped3A : memref<!tpu.dma_semaphore, #tpu.memory_space<semaphore_mem>>) src(%dma_wait3A_39 : memref<625x128xf32, #tpu.memory_space<vmem_shared>>) dst(%dma_wait3A_37 : memref<625x128xf32, #tpu.memory_space<hbm>>)
        tpu.yield
      }) : () -> ()
      "tpu.region"() ({
        %run_scoped3A = tpu.sem_alloc : memref<!tpu.dma_semaphore, #tpu.memory_space<semaphore_mem>>
        %dma_start3A = arith.constant 0 : i32
        %dma_start3A_34 = tpu.memref_slice %arg10[%mul3A_26, %dma_start3A] : memref<10000x128xf32, #tpu.memory_space<hbm>> -> memref<625x16xf32, #tpu.memory_space<hbm>>
        %dma_start3A_35 = arith.constant 128 : i32
        %dma_start3A_36 = tpu.memref_slice %arg19[%mul3A_26, %dma_start3A_35] : memref<10000x144xf32, #tpu.memory_space<vmem_shared>> -> memref<625x16xf32, #tpu.memory_space<vmem_shared>>
        tpu.enqueue_dma source(%dma_start3A_36 : memref<625x16xf32, #tpu.memory_space<vmem_shared>>) target(%dma_start3A_34 : memref<625x16xf32, #tpu.memory_space<hbm>>) target_semaphore(%run_scoped3A : memref<!tpu.dma_semaphore, #tpu.memory_space<semaphore_mem>>)
        %dma_wait3A = arith.constant 0 : i32
        %dma_wait3A_37 = tpu.memref_slice %arg10[%mul3A_26, %dma_wait3A] : memref<10000x128xf32, #tpu.memory_space<hbm>> -> memref<625x16xf32, #tpu.memory_space<hbm>>
        %dma_wait3A_38 = arith.constant 128 : i32
        %dma_wait3A_39 = tpu.memref_slice %arg19[%mul3A_26, %dma_wait3A_38] : memref<10000x144xf32, #tpu.memory_space<vmem_shared>> -> memref<625x16xf32, #tpu.memory_space<vmem_shared>>
        tpu.wait_dma2 semaphore(%run_scoped3A : memref<!tpu.dma_semaphore, #tpu.memory_space<semaphore_mem>>) src(%dma_wait3A_39 : memref<625x16xf32, #tpu.memory_space<vmem_shared>>) dst(%dma_wait3A_37 : memref<625x16xf32, #tpu.memory_space<hbm>>)
        tpu.yield
      }) : () -> ()
    } else {
    }
    %eq3A_29 = arith.constant 1 : i32
    %eq3A_30 = arith.cmpi eq, %arg0, %eq3A_29 : i32
    %convert_element_type3A_31 = arith.extui %eq3A_30 : i1 to i32
    %cond3A_32 = arith.constant 0 : i32
    %cond3A_33 = arith.cmpi ne, %convert_element_type3A_31, %cond3A_32 : i32
    scf.if %cond3A_33 {
      "tpu.region"() ({
        %run_scoped3A = tpu.sem_alloc : memref<!tpu.dma_semaphore, #tpu.memory_space<semaphore_mem>>
        %dma_start3A = arith.constant 0 : i32
        %dma_start3A_34 = tpu.memref_slice %arg9[%mul3A_26, %dma_start3A] : memref<10000x128xf32, #tpu.memory_space<hbm>> -> memref<625x128xf32, #tpu.memory_space<hbm>>
        %dma_start3A_35 = arith.constant 0 : i32
        %dma_start3A_36 = tpu.memref_slice %arg19[%mul3A_26, %dma_start3A_35] : memref<10000x144xf32, #tpu.memory_space<vmem_shared>> -> memref<625x128xf32, #tpu.memory_space<vmem_shared>>
        tpu.enqueue_dma source(%dma_start3A_36 : memref<625x128xf32, #tpu.memory_space<vmem_shared>>) target(%dma_start3A_34 : memref<625x128xf32, #tpu.memory_space<hbm>>) target_semaphore(%run_scoped3A : memref<!tpu.dma_semaphore, #tpu.memory_space<semaphore_mem>>)
        %dma_wait3A = arith.constant 0 : i32
        %dma_wait3A_37 = tpu.memref_slice %arg9[%mul3A_26, %dma_wait3A] : memref<10000x128xf32, #tpu.memory_space<hbm>> -> memref<625x128xf32, #tpu.memory_space<hbm>>
        %dma_wait3A_38 = arith.constant 0 : i32
        %dma_wait3A_39 = tpu.memref_slice %arg19[%mul3A_26, %dma_wait3A_38] : memref<10000x144xf32, #tpu.memory_space<vmem_shared>> -> memref<625x128xf32, #tpu.memory_space<vmem_shared>>
        tpu.wait_dma2 semaphore(%run_scoped3A : memref<!tpu.dma_semaphore, #tpu.memory_space<semaphore_mem>>) src(%dma_wait3A_39 : memref<625x128xf32, #tpu.memory_space<vmem_shared>>) dst(%dma_wait3A_37 : memref<625x128xf32, #tpu.memory_space<hbm>>)
        tpu.yield
      }) : () -> ()
      "tpu.region"() ({
        %run_scoped3A = tpu.sem_alloc : memref<!tpu.dma_semaphore, #tpu.memory_space<semaphore_mem>>
        %dma_start3A = arith.constant 0 : i32
        %dma_start3A_34 = tpu.memref_slice %arg11[%mul3A_26, %dma_start3A] : memref<10000x128xf32, #tpu.memory_space<hbm>> -> memref<625x16xf32, #tpu.memory_space<hbm>>
        %dma_start3A_35 = arith.constant 128 : i32
        %dma_start3A_36 = tpu.memref_slice %arg19[%mul3A_26, %dma_start3A_35] : memref<10000x144xf32, #tpu.memory_space<vmem_shared>> -> memref<625x16xf32, #tpu.memory_space<vmem_shared>>
        tpu.enqueue_dma source(%dma_start3A_36 : memref<625x16xf32, #tpu.memory_space<vmem_shared>>) target(%dma_start3A_34 : memref<625x16xf32, #tpu.memory_space<hbm>>) target_semaphore(%run_scoped3A : memref<!tpu.dma_semaphore, #tpu.memory_space<semaphore_mem>>)
        %dma_wait3A = arith.constant 0 : i32
        %dma_wait3A_37 = tpu.memref_slice %arg11[%mul3A_26, %dma_wait3A] : memref<10000x128xf32, #tpu.memory_space<hbm>> -> memref<625x16xf32, #tpu.memory_space<hbm>>
        %dma_wait3A_38 = arith.constant 128 : i32
        %dma_wait3A_39 = tpu.memref_slice %arg19[%mul3A_26, %dma_wait3A_38] : memref<10000x144xf32, #tpu.memory_space<vmem_shared>> -> memref<625x16xf32, #tpu.memory_space<vmem_shared>>
        tpu.wait_dma2 semaphore(%run_scoped3A : memref<!tpu.dma_semaphore, #tpu.memory_space<semaphore_mem>>) src(%dma_wait3A_39 : memref<625x16xf32, #tpu.memory_space<vmem_shared>>) dst(%dma_wait3A_37 : memref<625x16xf32, #tpu.memory_space<hbm>>)
        tpu.yield
      }) : () -> ()
    } else {
    }
    return
  }
}

module attributes {stable_mosaic.version = 14 : i64} {
  func.func @_fold_body(%arg0: memref<128x128xf32, #tpu.memory_space<vmem>>, %arg1: memref<128x128xf32, #tpu.memory_space<vmem>>, %arg2: memref<1x128xf32, #tpu.memory_space<vmem>>, %arg3: memref<128x128xf32, #tpu.memory_space<vmem>>, %arg4: memref<1x128xf32, #tpu.memory_space<vmem>>) attributes {dimension_semantics = [], scalar_prefetch = 0 : i64, scratch_operands = 0 : i64, tpu.core_type = #tpu.core_type<tc>} {
    %get3A = arith.constant 0 : index
    %get3A_0 = arith.constant 0 : index
    %get3A_1 = vector.load %arg0[%get3A, %get3A_0] : memref<128x128xf32, #tpu.memory_space<vmem>>, vector<128x128xf32>
    %get3A_2 = arith.constant 0 : index
    %get3A_3 = arith.constant 0 : index
    %get3A_4 = vector.load %arg1[%get3A_2, %get3A_3] : memref<128x128xf32, #tpu.memory_space<vmem>>, vector<128x128xf32>
    %dot_general3A = arith.constant dense<0.000000e+00> : vector<128x128xf32>
    %dot_general3A_5 = tpu.matmul %get3A_1, %get3A_4, %dot_general3A {dimension_numbers = #tpu.dot_dimension_numbers<[1], [0], [0], [1], [0, 0, 1, 1], [], []>, transpose_lhs_hint = false} : vector<128x128xf32>, vector<128x128xf32>, vector<128x128xf32> -> vector<128x128xf32>
    %swap3A = arith.constant 0 : index
    %swap3A_6 = arith.constant 0 : index
    %swap3A_7 = vector.load %arg3[%swap3A, %swap3A_6] : memref<128x128xf32, #tpu.memory_space<vmem>>, vector<128x128xf32>
    tpu.vector_store %arg3[%swap3A, %swap3A_6], %dot_general3A_5 {strides = array<i32>} : memref<128x128xf32, #tpu.memory_space<vmem>>, vector<128x128xf32>,
    %get3A_8 = arith.constant 0 : index
    %get3A_9 = arith.constant 0 : index
    %get3A_10 = vector.load %arg2[%get3A_8, %get3A_9] : memref<1x128xf32, #tpu.memory_space<vmem>>, vector<1x128xf32>
    %get3A_11 = arith.constant 0 : index
    %get3A_12 = arith.constant 0 : index
    %get3A_13 = vector.load %arg1[%get3A_11, %get3A_12] : memref<128x128xf32, #tpu.memory_space<vmem>>, vector<128x128xf32>
    %dot_general3A_14 = arith.constant dense<0.000000e+00> : vector<1x128xf32>
    %dot_general3A_15 = tpu.matmul %get3A_10, %get3A_13, %dot_general3A_14 {dimension_numbers = #tpu.dot_dimension_numbers<[1], [0], [0], [1], [0, 0, 1, 1], [], []>, transpose_lhs_hint = false} : vector<1x128xf32>, vector<128x128xf32>, vector<1x128xf32> -> vector<1x128xf32>
    %swap3A_16 = arith.constant 0 : index
    %swap3A_17 = arith.constant 0 : index
    %swap3A_18 = vector.load %arg4[%swap3A_16, %swap3A_17] : memref<1x128xf32, #tpu.memory_space<vmem>>, vector<1x128xf32>
    tpu.vector_store %arg4[%swap3A_16, %swap3A_17], %dot_general3A_15 {strides = array<i32>} : memref<1x128xf32, #tpu.memory_space<vmem>>, vector<1x128xf32>,
    return
  }
}

module attributes {stable_mosaic.version = 14 : i64} {
  func.func @_edge_body(%arg0: i32, %arg1: memref<4000x16xf32, #tpu.memory_space<vmem>>, %arg2: memref<16x128xf32, #tpu.memory_space<vmem>>, %arg3: memref<1x128xf32, #tpu.memory_space<vmem>>, %arg4: memref<128x128xf32, #tpu.memory_space<vmem>>, %arg5: memref<1x128xf32, #tpu.memory_space<vmem>>, %arg6: memref<4000x128xf32, #tpu.memory_space<vmem>>) attributes {dimension_semantics = [#tpu.dimension_semantics<arbitrary>], iteration_bounds = array<i64: 80>, scalar_prefetch = 0 : i64, scratch_operands = 0 : i64, tpu.core_type = #tpu.core_type<tc>, window_params = [{transform_indices = @transform_0, window_bounds = array<i64: 4000, 16>}, {pipeline_mode = #tpu.pipeline_mode<synchronous>, transform_indices = @transform_1, window_bounds = array<i64: 16, 128>}, {pipeline_mode = #tpu.pipeline_mode<synchronous>, transform_indices = @transform_2, window_bounds = array<i64: 1, 128>}, {pipeline_mode = #tpu.pipeline_mode<synchronous>, transform_indices = @transform_3, window_bounds = array<i64: 128, 128>}, {pipeline_mode = #tpu.pipeline_mode<synchronous>, transform_indices = @transform_4, window_bounds = array<i64: 1, 128>}, {transform_indices = @transform_5, window_bounds = array<i64: 4000, 128>}]} {
    %get3A = arith.constant 0 : index
    %get3A_0 = arith.constant 0 : index
    %get3A_1 = vector.load %arg1[%get3A, %get3A_0] : memref<4000x16xf32, #tpu.memory_space<vmem>>, vector<4000x16xf32>
    %get3A_2 = arith.constant 0 : index
    %get3A_3 = arith.constant 0 : index
    %get3A_4 = vector.load %arg2[%get3A_2, %get3A_3] : memref<16x128xf32, #tpu.memory_space<vmem>>, vector<16x128xf32>
    %dot_general3A = arith.constant dense<0.000000e+00> : vector<4000x128xf32>
    %dot_general3A_5 = tpu.matmul %get3A_1, %get3A_4, %dot_general3A {dimension_numbers = #tpu.dot_dimension_numbers<[1], [0], [0], [1], [0, 0, 1, 1], [], []>, transpose_lhs_hint = false} : vector<4000x16xf32>, vector<16x128xf32>, vector<4000x128xf32> -> vector<4000x128xf32>
    %get3A_6 = arith.constant 0 : index
    %get3A_7 = arith.constant 0 : index
    %get3A_8 = vector.load %arg3[%get3A_6, %get3A_7] : memref<1x128xf32, #tpu.memory_space<vmem>>, vector<1x128xf32>
    %add3A = vector.broadcast %get3A_8 : vector<1x128xf32> to vector<4000x128xf32>
    %add3A_9 = arith.addf %dot_general3A_5, %add3A : vector<4000x128xf32>
    %ge3A = arith.constant 0.000000e+00 : f32
    %ge3A_10 = vector.broadcast %ge3A : f32 to vector<4000x128xf32>
    %ge3A_11 = arith.cmpf oge, %add3A_9, %ge3A_10 : vector<4000x128xf32>
    %mul3A = arith.constant 1.500000e-01 : f32
    %mul3A_12 = vector.broadcast %mul3A : f32 to vector<4000x128xf32>
    %mul3A_13 = arith.mulf %mul3A_12, %add3A_9 : vector<4000x128xf32>
    %select_n3A = arith.select %ge3A_11, %add3A_9, %mul3A_13 : vector<4000x128xi1>, vector<4000x128xf32>
    %get3A_14 = arith.constant 0 : index
    %get3A_15 = arith.constant 0 : index
    %get3A_16 = vector.load %arg4[%get3A_14, %get3A_15] : memref<128x128xf32, #tpu.memory_space<vmem>>, vector<128x128xf32>
    %dot_general3A_17 = arith.constant dense<0.000000e+00> : vector<4000x128xf32>
    %dot_general3A_18 = tpu.matmul %select_n3A, %get3A_16, %dot_general3A_17 {dimension_numbers = #tpu.dot_dimension_numbers<[1], [0], [0], [1], [0, 0, 1, 1], [], []>, transpose_lhs_hint = false} : vector<4000x128xf32>, vector<128x128xf32>, vector<4000x128xf32> -> vector<4000x128xf32>
    %get3A_19 = arith.constant 0 : index
    %get3A_20 = arith.constant 0 : index
    %get3A_21 = vector.load %arg5[%get3A_19, %get3A_20] : memref<1x128xf32, #tpu.memory_space<vmem>>, vector<1x128xf32>
    %add3A_22 = vector.broadcast %get3A_21 : vector<1x128xf32> to vector<4000x128xf32>
    %add3A_23 = arith.addf %dot_general3A_18, %add3A_22 : vector<4000x128xf32>
    %swap3A = arith.constant 0 : index
    %swap3A_24 = arith.constant 0 : index
    %swap3A_25 = vector.load %arg6[%swap3A, %swap3A_24] : memref<4000x128xf32, #tpu.memory_space<vmem>>, vector<4000x128xf32>
    tpu.vector_store %arg6[%swap3A, %swap3A_24], %add3A_23 {strides = array<i32>} : memref<4000x128xf32, #tpu.memory_space<vmem>>, vector<4000x128xf32>,
    return
  }
  func.func @transform_0(%arg0: i32) -> (i32, i32) {
    %c0_i32 = arith.constant 0 : i32
    %c0_i32_0 = arith.constant 0 : i32
    return %arg0, %c0_i32 : i32, i32
  }
  func.func @transform_1(%arg0: i32) -> (i32, i32) {
    %c0_i32 = arith.constant 0 : i32
    %c0_i32_0 = arith.constant 0 : i32
    %c0_i32_1 = arith.constant 0 : i32
    return %c0_i32, %c0_i32_0 : i32, i32
  }
  func.func @transform_2(%arg0: i32) -> (i32, i32) {
    %c0_i32 = arith.constant 0 : i32
    %c0_i32_0 = arith.constant 0 : i32
    %c0_i32_1 = arith.constant 0 : i32
    return %c0_i32, %c0_i32_0 : i32, i32
  }
  func.func @transform_3(%arg0: i32) -> (i32, i32) {
    %c0_i32 = arith.constant 0 : i32
    %c0_i32_0 = arith.constant 0 : i32
    %c0_i32_1 = arith.constant 0 : i32
    return %c0_i32, %c0_i32_0 : i32, i32
  }
  func.func @transform_4(%arg0: i32) -> (i32, i32) {
    %c0_i32 = arith.constant 0 : i32
    %c0_i32_0 = arith.constant 0 : i32
    %c0_i32_1 = arith.constant 0 : i32
    return %c0_i32, %c0_i32_0 : i32, i32
  }
  func.func @transform_5(%arg0: i32) -> (i32, i32) {
    %c0_i32 = arith.constant 0 : i32
    %c0_i32_0 = arith.constant 0 : i32
    return %arg0, %c0_i32 : i32, i32
  }
}

module attributes {stable_mosaic.version = 14 : i64} {
  func.func @_node_body(%arg0: i32, %arg1: memref<2000x128xf32, #tpu.memory_space<vmem>>, %arg2: memref<128x128xf32, #tpu.memory_space<vmem>>, %arg3: memref<1x128xf32, #tpu.memory_space<vmem>>, %arg4: memref<128x128xf32, #tpu.memory_space<vmem>>, %arg5: memref<1x128xf32, #tpu.memory_space<vmem>>, %arg6: memref<128x128xf32, #tpu.memory_space<vmem>>, %arg7: memref<1x128xf32, #tpu.memory_space<vmem>>, %arg8: memref<128x128xf32, #tpu.memory_space<vmem>>, %arg9: memref<1x128xf32, #tpu.memory_space<vmem>>, %arg10: memref<2000x128xf32, #tpu.memory_space<vmem>>, %arg11: memref<2000x128xf32, #tpu.memory_space<vmem>>, %arg12: memref<2000x128xf32, #tpu.memory_space<vmem>>, %arg13: memref<2000x128xf32, #tpu.memory_space<vmem>>) attributes {dimension_semantics = [#tpu.dimension_semantics<arbitrary>], iteration_bounds = array<i64: 5>, scalar_prefetch = 0 : i64, scratch_operands = 0 : i64, tpu.core_type = #tpu.core_type<tc>, window_params = [{transform_indices = @transform_0, window_bounds = array<i64: 2000, 128>}, {pipeline_mode = #tpu.pipeline_mode<synchronous>, transform_indices = @transform_1, window_bounds = array<i64: 128, 128>}, {pipeline_mode = #tpu.pipeline_mode<synchronous>, transform_indices = @transform_2, window_bounds = array<i64: 1, 128>}, {pipeline_mode = #tpu.pipeline_mode<synchronous>, transform_indices = @transform_3, window_bounds = array<i64: 128, 128>}, {pipeline_mode = #tpu.pipeline_mode<synchronous>, transform_indices = @transform_4, window_bounds = array<i64: 1, 128>}, {pipeline_mode = #tpu.pipeline_mode<synchronous>, transform_indices = @transform_5, window_bounds = array<i64: 128, 128>}, {pipeline_mode = #tpu.pipeline_mode<synchronous>, transform_indices = @transform_6, window_bounds = array<i64: 1, 128>}, {pipeline_mode = #tpu.pipeline_mode<synchronous>, transform_indices = @transform_7, window_bounds = array<i64: 128, 128>}, {pipeline_mode = #tpu.pipeline_mode<synchronous>, transform_indices = @transform_8, window_bounds = array<i64: 1, 128>}, {transform_indices = @transform_9, window_bounds = array<i64: 2000, 128>}, {transform_indices = @transform_10, window_bounds = array<i64: 2000, 128>}, {transform_indices = @transform_11, window_bounds = array<i64: 2000, 128>}, {transform_indices = @transform_12, window_bounds = array<i64: 2000, 128>}]} {
    %get3A = arith.constant 0 : index
    %get3A_0 = arith.constant 0 : index
    %get3A_1 = vector.load %arg1[%get3A, %get3A_0] : memref<2000x128xf32, #tpu.memory_space<vmem>>, vector<2000x128xf32>
    %get3A_2 = arith.constant 0 : index
    %get3A_3 = arith.constant 0 : index
    %get3A_4 = vector.load %arg2[%get3A_2, %get3A_3] : memref<128x128xf32, #tpu.memory_space<vmem>>, vector<128x128xf32>
    %dot_general3A = arith.constant dense<0.000000e+00> : vector<2000x128xf32>
    %dot_general3A_5 = tpu.matmul %get3A_1, %get3A_4, %dot_general3A {dimension_numbers = #tpu.dot_dimension_numbers<[1], [0], [0], [1], [0, 0, 1, 1], [], []>, transpose_lhs_hint = false} : vector<2000x128xf32>, vector<128x128xf32>, vector<2000x128xf32> -> vector<2000x128xf32>
    %get3A_6 = arith.constant 0 : index
    %get3A_7 = arith.constant 0 : index
    %get3A_8 = vector.load %arg3[%get3A_6, %get3A_7] : memref<1x128xf32, #tpu.memory_space<vmem>>, vector<1x128xf32>
    %add3A = vector.broadcast %get3A_8 : vector<1x128xf32> to vector<2000x128xf32>
    %add3A_9 = arith.addf %dot_general3A_5, %add3A : vector<2000x128xf32>
    %swap3A = arith.constant 0 : index
    %swap3A_10 = arith.constant 0 : index
    %swap3A_11 = vector.load %arg10[%swap3A, %swap3A_10] : memref<2000x128xf32, #tpu.memory_space<vmem>>, vector<2000x128xf32>
    tpu.vector_store %arg10[%swap3A, %swap3A_10], %add3A_9 {strides = array<i32>} : memref<2000x128xf32, #tpu.memory_space<vmem>>, vector<2000x128xf32>,
    %get3A_12 = arith.constant 0 : index
    %get3A_13 = arith.constant 0 : index
    %get3A_14 = vector.load %arg4[%get3A_12, %get3A_13] : memref<128x128xf32, #tpu.memory_space<vmem>>, vector<128x128xf32>
    %dot_general3A_15 = arith.constant dense<0.000000e+00> : vector<2000x128xf32>
    %dot_general3A_16 = tpu.matmul %get3A_1, %get3A_14, %dot_general3A_15 {dimension_numbers = #tpu.dot_dimension_numbers<[1], [0], [0], [1], [0, 0, 1, 1], [], []>, transpose_lhs_hint = false} : vector<2000x128xf32>, vector<128x128xf32>, vector<2000x128xf32> -> vector<2000x128xf32>
    %get3A_17 = arith.constant 0 : index
    %get3A_18 = arith.constant 0 : index
    %get3A_19 = vector.load %arg5[%get3A_17, %get3A_18] : memref<1x128xf32, #tpu.memory_space<vmem>>, vector<1x128xf32>
    %add3A_20 = vector.broadcast %get3A_19 : vector<1x128xf32> to vector<2000x128xf32>
    %add3A_21 = arith.addf %dot_general3A_16, %add3A_20 : vector<2000x128xf32>
    %swap3A_22 = arith.constant 0 : index
    %swap3A_23 = arith.constant 0 : index
    %swap3A_24 = vector.load %arg11[%swap3A_22, %swap3A_23] : memref<2000x128xf32, #tpu.memory_space<vmem>>, vector<2000x128xf32>
    tpu.vector_store %arg11[%swap3A_22, %swap3A_23], %add3A_21 {strides = array<i32>} : memref<2000x128xf32, #tpu.memory_space<vmem>>, vector<2000x128xf32>,
    %get3A_25 = arith.constant 0 : index
    %get3A_26 = arith.constant 0 : index
    %get3A_27 = vector.load %arg6[%get3A_25, %get3A_26] : memref<128x128xf32, #tpu.memory_space<vmem>>, vector<128x128xf32>
    %dot_general3A_28 = arith.constant dense<0.000000e+00> : vector<2000x128xf32>
    %dot_general3A_29 = tpu.matmul %get3A_1, %get3A_27, %dot_general3A_28 {dimension_numbers = #tpu.dot_dimension_numbers<[1], [0], [0], [1], [0, 0, 1, 1], [], []>, transpose_lhs_hint = false} : vector<2000x128xf32>, vector<128x128xf32>, vector<2000x128xf32> -> vector<2000x128xf32>
    %get3A_30 = arith.constant 0 : index
    %get3A_31 = arith.constant 0 : index
    %get3A_32 = vector.load %arg7[%get3A_30, %get3A_31] : memref<1x128xf32, #tpu.memory_space<vmem>>, vector<1x128xf32>
    %add3A_33 = vector.broadcast %get3A_32 : vector<1x128xf32> to vector<2000x128xf32>
    %add3A_34 = arith.addf %dot_general3A_29, %add3A_33 : vector<2000x128xf32>
    %swap3A_35 = arith.constant 0 : index
    %swap3A_36 = arith.constant 0 : index
    %swap3A_37 = vector.load %arg12[%swap3A_35, %swap3A_36] : memref<2000x128xf32, #tpu.memory_space<vmem>>, vector<2000x128xf32>
    tpu.vector_store %arg12[%swap3A_35, %swap3A_36], %add3A_34 {strides = array<i32>} : memref<2000x128xf32, #tpu.memory_space<vmem>>, vector<2000x128xf32>,
    %get3A_38 = arith.constant 0 : index
    %get3A_39 = arith.constant 0 : index
    %get3A_40 = vector.load %arg8[%get3A_38, %get3A_39] : memref<128x128xf32, #tpu.memory_space<vmem>>, vector<128x128xf32>
    %dot_general3A_41 = arith.constant dense<0.000000e+00> : vector<2000x128xf32>
    %dot_general3A_42 = tpu.matmul %get3A_1, %get3A_40, %dot_general3A_41 {dimension_numbers = #tpu.dot_dimension_numbers<[1], [0], [0], [1], [0, 0, 1, 1], [], []>, transpose_lhs_hint = false} : vector<2000x128xf32>, vector<128x128xf32>, vector<2000x128xf32> -> vector<2000x128xf32>
    %get3A_43 = arith.constant 0 : index
    %get3A_44 = arith.constant 0 : index
    %get3A_45 = vector.load %arg9[%get3A_43, %get3A_44] : memref<1x128xf32, #tpu.memory_space<vmem>>, vector<1x128xf32>
    %add3A_46 = vector.broadcast %get3A_45 : vector<1x128xf32> to vector<2000x128xf32>
    %add3A_47 = arith.addf %dot_general3A_42, %add3A_46 : vector<2000x128xf32>
    %swap3A_48 = arith.constant 0 : index
    %swap3A_49 = arith.constant 0 : index
    %swap3A_50 = vector.load %arg13[%swap3A_48, %swap3A_49] : memref<2000x128xf32, #tpu.memory_space<vmem>>, vector<2000x128xf32>
    tpu.vector_store %arg13[%swap3A_48, %swap3A_49], %add3A_47 {strides = array<i32>} : memref<2000x128xf32, #tpu.memory_space<vmem>>, vector<2000x128xf32>,
    return
  }
  func.func @transform_0(%arg0: i32) -> (i32, i32) {
    %c0_i32 = arith.constant 0 : i32
    %c0_i32_0 = arith.constant 0 : i32
    return %arg0, %c0_i32 : i32, i32
  }
  func.func @transform_1(%arg0: i32) -> (i32, i32) {
    %c0_i32 = arith.constant 0 : i32
    %c0_i32_0 = arith.constant 0 : i32
    %c0_i32_1 = arith.constant 0 : i32
    return %c0_i32, %c0_i32_0 : i32, i32
  }
  func.func @transform_2(%arg0: i32) -> (i32, i32) {
    %c0_i32 = arith.constant 0 : i32
    %c0_i32_0 = arith.constant 0 : i32
    %c0_i32_1 = arith.constant 0 : i32
    return %c0_i32, %c0_i32_0 : i32, i32
  }
  func.func @transform_3(%arg0: i32) -> (i32, i32) {
    %c0_i32 = arith.constant 0 : i32
    %c0_i32_0 = arith.constant 0 : i32
    %c0_i32_1 = arith.constant 0 : i32
    return %c0_i32, %c0_i32_0 : i32, i32
  }
  func.func @transform_4(%arg0: i32) -> (i32, i32) {
    %c0_i32 = arith.constant 0 : i32
    %c0_i32_0 = arith.constant 0 : i32
    %c0_i32_1 = arith.constant 0 : i32
    return %c0_i32, %c0_i32_0 : i32, i32
  }
  func.func @transform_5(%arg0: i32) -> (i32, i32) {
    %c0_i32 = arith.constant 0 : i32
    %c0_i32_0 = arith.constant 0 : i32
    %c0_i32_1 = arith.constant 0 : i32
    return %c0_i32, %c0_i32_0 : i32, i32
  }
  func.func @transform_6(%arg0: i32) -> (i32, i32) {
    %c0_i32 = arith.constant 0 : i32
    %c0_i32_0 = arith.constant 0 : i32
    %c0_i32_1 = arith.constant 0 : i32
    return %c0_i32, %c0_i32_0 : i32, i32
  }
  func.func @transform_7(%arg0: i32) -> (i32, i32) {
    %c0_i32 = arith.constant 0 : i32
    %c0_i32_0 = arith.constant 0 : i32
    %c0_i32_1 = arith.constant 0 : i32
    return %c0_i32, %c0_i32_0 : i32, i32
  }
  func.func @transform_8(%arg0: i32) -> (i32, i32) {
    %c0_i32 = arith.constant 0 : i32
    %c0_i32_0 = arith.constant 0 : i32
    %c0_i32_1 = arith.constant 0 : i32
    return %c0_i32, %c0_i32_0 : i32, i32
  }
  func.func @transform_9(%arg0: i32) -> (i32, i32) {
    %c0_i32 = arith.constant 0 : i32
    %c0_i32_0 = arith.constant 0 : i32
    return %arg0, %c0_i32 : i32, i32
  }
  func.func @transform_10(%arg0: i32) -> (i32, i32) {
    %c0_i32 = arith.constant 0 : i32
    %c0_i32_0 = arith.constant 0 : i32
    return %arg0, %c0_i32 : i32, i32
  }
  func.func @transform_11(%arg0: i32) -> (i32, i32) {
    %c0_i32 = arith.constant 0 : i32
    %c0_i32_0 = arith.constant 0 : i32
    return %arg0, %c0_i32 : i32, i32
  }
  func.func @transform_12(%arg0: i32) -> (i32, i32) {
    %c0_i32 = arith.constant 0 : i32
    %c0_i32_0 = arith.constant 0 : i32
    return %arg0, %c0_i32 : i32, i32
  }
}

module attributes {stable_mosaic.version = 14 : i64} {
  func.func @_final_body(%arg0: i32, %arg1: memref<2000x128xf32, #tpu.memory_space<vmem>>, %arg2: memref<2000x128xf32, #tpu.memory_space<vmem>>, %arg3: memref<2000x128xf32, #tpu.memory_space<vmem>>, %arg4: memref<2000x128xf32, #tpu.memory_space<vmem>>, %arg5: memref<2000x128xf32, #tpu.memory_space<vmem>>, %arg6: memref<384x1xf32, #tpu.memory_space<vmem>>, %arg7: memref<2000x128xf32, #tpu.memory_space<vmem>>) attributes {dimension_semantics = [#tpu.dimension_semantics<arbitrary>], iteration_bounds = array<i64: 5>, scalar_prefetch = 0 : i64, scratch_operands = 0 : i64, tpu.core_type = #tpu.core_type<tc>, window_params = [{transform_indices = @transform_0, window_bounds = array<i64: 2000, 128>}, {transform_indices = @transform_1, window_bounds = array<i64: 2000, 128>}, {transform_indices = @transform_2, window_bounds = array<i64: 2000, 128>}, {transform_indices = @transform_3, window_bounds = array<i64: 2000, 128>}, {transform_indices = @transform_4, window_bounds = array<i64: 2000, 128>}, {pipeline_mode = #tpu.pipeline_mode<synchronous>, transform_indices = @transform_5, window_bounds = array<i64: 384, 1>}, {transform_indices = @transform_6, window_bounds = array<i64: 2000, 128>}]} {
    %get3A = arith.constant 0 : index
    %get3A_0 = arith.constant 0 : index
    %get3A_1 = vector.load %arg1[%get3A, %get3A_0] : memref<2000x128xf32, #tpu.memory_space<vmem>>, vector<2000x128xf32>
    %get3A_2 = arith.constant 0 : index
    %get3A_3 = arith.constant 0 : index
    %get3A_4 = vector.load %arg2[%get3A_2, %get3A_3] : memref<2000x128xf32, #tpu.memory_space<vmem>>, vector<2000x128xf32>
    %add3A = arith.addf %get3A_1, %get3A_4 : vector<2000x128xf32>
    %get3A_5 = arith.constant 0 : index
    %get3A_6 = arith.constant 0 : index
    %get3A_7 = vector.load %arg3[%get3A_5, %get3A_6] : memref<2000x128xf32, #tpu.memory_space<vmem>>, vector<2000x4xf32>
    %get3A_8 = arith.constant 0 : index
    %get3A_9 = arith.constant 0 : index
    %get3A_10 = vector.load %arg4[%get3A_8, %get3A_9] : memref<2000x128xf32, #tpu.memory_space<vmem>>, vector<2000x4xf32>
    %add3A_11 = arith.addf %get3A_7, %get3A_10 : vector<2000x4xf32>
    %iota3A = tpu.iota {dimensions = array<i32: 0>} : vector<4x128xi32>
    %iota3A_12 = tpu.iota {dimensions = array<i32: 1>} : vector<4x128xi32>
    %jit3A = arith.constant 32 : i32
    %div3A = vector.broadcast %jit3A : i32 to vector<4x128xi32>
    %div3A_13 = arith.divsi %iota3A_12, %div3A : vector<4x128xi32>
    %sign3A = arith.constant 0 : i32
    %sign3A_14 = vector.broadcast %sign3A : i32 to vector<4x128xi32>
    %sign3A_15 = arith.cmpi sgt, %iota3A_12, %sign3A_14 : vector<4x128xi32>
    %sign3A_16 = arith.extui %sign3A_15 : vector<4x128xi1> to vector<4x128xi32>
    %sign3A_17 = arith.constant 0 : i32
    %sign3A_18 = vector.broadcast %sign3A_17 : i32 to vector<4x128xi32>
    %sign3A_19 = arith.cmpi slt, %iota3A_12, %sign3A_18 : vector<4x128xi32>
    %sign3A_20 = arith.extui %sign3A_19 : vector<4x128xi1> to vector<4x128xi32>
    %sign3A_21 = arith.subi %sign3A_16, %sign3A_20 : vector<4x128xi32>
    %sign3A_22 = arith.constant 0 : i32
    %sign3A_23 = arith.cmpi sgt, %jit3A, %sign3A_22 : i32
    %sign3A_24 = arith.extui %sign3A_23 : i1 to i32
    %sign3A_25 = arith.constant 0 : i32
    %sign3A_26 = arith.cmpi slt, %jit3A, %sign3A_25 : i32
    %sign3A_27 = arith.extui %sign3A_26 : i1 to i32
    %sign3A_28 = arith.subi %sign3A_24, %sign3A_27 : i32
    %ne3A = vector.broadcast %sign3A_28 : i32 to vector<4x128xi32>
    %ne3A_29 = arith.cmpi ne, %sign3A_21, %ne3A : vector<4x128xi32>
    %rem3A = vector.broadcast %jit3A : i32 to vector<4x128xi32>
    %rem3A_30 = arith.remsi %iota3A_12, %rem3A : vector<4x128xi32>
    %ne3A_31 = arith.constant 0 : i32
    %ne3A_32 = vector.broadcast %ne3A_31 : i32 to vector<4x128xi32>
    %ne3A_33 = arith.cmpi ne, %rem3A_30, %ne3A_32 : vector<4x128xi32>
    %and3A = arith.andi %ne3A_29, %ne3A_33 : vector<4x128xi1>
    %sub3A = arith.constant 1 : i32
    %sub3A_34 = vector.broadcast %sub3A : i32 to vector<4x128xi32>
    %sub3A_35 = arith.subi %div3A_13, %sub3A_34 : vector<4x128xi32>
    %select_n3A = arith.select %and3A, %sub3A_35, %div3A_13 : vector<4x128xi1>, vector<4x128xi32>
    %eq3A = arith.cmpi eq, %iota3A, %select_n3A : vector<4x128xi32>
    %convert_element_type3A = arith.extui %eq3A : vector<4x128xi1> to vector<4x128xi32>
    %convert_element_type3A_36 = arith.sitofp %convert_element_type3A : vector<4x128xi32> to vector<4x128xf32>
    %dot_general3A = arith.constant dense<0.000000e+00> : vector<2000x128xf32>
    %dot_general3A_37 = tpu.matmul %add3A_11, %convert_element_type3A_36, %dot_general3A {dimension_numbers = #tpu.dot_dimension_numbers<[1], [0], [0], [1], [0, 0, 1, 1], [], []>, transpose_lhs_hint = false} : vector<2000x4xf32>, vector<4x128xf32>, vector<2000x128xf32> -> vector<2000x128xf32>
    %add3A_38 = arith.constant 1.000000e-16 : f32
    %add3A_39 = vector.broadcast %add3A_38 : f32 to vector<2000x128xf32>
    %add3A_40 = arith.addf %dot_general3A_37, %add3A_39 : vector<2000x128xf32>
    %div3A_41 = arith.divf %add3A, %add3A_40 : vector<2000x128xf32>
    %get3A_42 = arith.constant 0 : index
    %get3A_43 = arith.constant 0 : index
    %get3A_44 = vector.load %arg5[%get3A_42, %get3A_43] : memref<2000x128xf32, #tpu.memory_space<vmem>>, vector<2000x128xf32>
    %get3A_45 = arith.constant 0 : index
    %get3A_46 = arith.constant 0 : index
    %get3A_47 = vector.load %arg6[%get3A_45, %get3A_46] : memref<384x1xf32, #tpu.memory_space<vmem>>, vector<128x1xf32>
    %get3A_48 = arith.constant 256 : index
    %get3A_49 = arith.constant 0 : index
    %get3A_50 = vector.load %arg6[%get3A_48, %get3A_49] : memref<384x1xf32, #tpu.memory_space<vmem>>, vector<128x1xf32>
    %add3A_51 = arith.addf %get3A_47, %get3A_50 : vector<128x1xf32>
    %get3A_52 = arith.constant 128 : index
    %get3A_53 = arith.constant 0 : index
    %get3A_54 = vector.load %arg6[%get3A_52, %get3A_53] : memref<384x1xf32, #tpu.memory_space<vmem>>, vector<128x1xf32>
    %get3A_55 = arith.constant 256 : index
    %get3A_56 = arith.constant 0 : index
    %get3A_57 = vector.load %arg6[%get3A_55, %get3A_56] : memref<384x1xf32, #tpu.memory_space<vmem>>, vector<128x1xf32>
    %sub3A_58 = arith.subf %get3A_54, %get3A_57 : vector<128x1xf32>
    %dot_general3A_59 = arith.constant dense<0.000000e+00> : vector<2000x1xf32>
    %dot_general3A_60 = tpu.matmul %div3A_41, %add3A_51, %dot_general3A_59 {dimension_numbers = #tpu.dot_dimension_numbers<[1], [0], [0], [1], [0, 0, 1, 1], [], []>, transpose_lhs_hint = false} : vector<2000x128xf32>, vector<128x1xf32>, vector<2000x1xf32> -> vector<2000x1xf32>
    %dot_general3A_61 = arith.constant dense<0.000000e+00> : vector<2000x1xf32>
    %dot_general3A_62 = tpu.matmul %get3A_44, %sub3A_58, %dot_general3A_61 {dimension_numbers = #tpu.dot_dimension_numbers<[1], [0], [0], [1], [0, 0, 1, 1], [], []>, transpose_lhs_hint = false} : vector<2000x128xf32>, vector<128x1xf32>, vector<2000x1xf32> -> vector<2000x1xf32>
    %add3A_63 = arith.addf %dot_general3A_60, %dot_general3A_62 : vector<2000x1xf32>
    %logistic3A = arith.negf %add3A_63 : vector<2000x1xf32>
    %logistic3A_64 = math.exp %logistic3A : vector<2000x1xf32>
    %logistic3A_65 = arith.constant 1.000000e+00 : f32
    %logistic3A_66 = vector.broadcast %logistic3A_65 : f32 to vector<2000x1xf32>
    %logistic3A_67 = arith.addf %logistic3A_66, %logistic3A_64 : vector<2000x1xf32>
    %logistic3A_68 = arith.divf %logistic3A_66, %logistic3A_67 : vector<2000x1xf32>
    %mul3A = vector.broadcast %logistic3A_68 : vector<2000x1xf32> to vector<2000x128xf32>
    %mul3A_69 = arith.mulf %mul3A, %get3A_44 : vector<2000x128xf32>
    %sub3A_70 = arith.constant 1.000000e+00 : f32
    %sub3A_71 = vector.broadcast %sub3A_70 : f32 to vector<2000x1xf32>
    %sub3A_72 = arith.subf %sub3A_71, %logistic3A_68 : vector<2000x1xf32>
    %mul3A_73 = vector.broadcast %sub3A_72 : vector<2000x1xf32> to vector<2000x128xf32>
    %mul3A_74 = arith.mulf %mul3A_73, %div3A_41 : vector<2000x128xf32>
    %add3A_75 = arith.addf %mul3A_69, %mul3A_74 : vector<2000x128xf32>
    %swap3A = arith.constant 0 : index
    %swap3A_76 = arith.constant 0 : index
    %swap3A_77 = vector.load %arg7[%swap3A, %swap3A_76] : memref<2000x128xf32, #tpu.memory_space<vmem>>, vector<2000x128xf32>
    tpu.vector_store %arg7[%swap3A, %swap3A_76], %add3A_75 {strides = array<i32>} : memref<2000x128xf32, #tpu.memory_space<vmem>>, vector<2000x128xf32>,
    return
  }
  func.func @transform_0(%arg0: i32) -> (i32, i32) {
    %c0_i32 = arith.constant 0 : i32
    %c0_i32_0 = arith.constant 0 : i32
    return %arg0, %c0_i32 : i32, i32
  }
  func.func @transform_1(%arg0: i32) -> (i32, i32) {
    %c0_i32 = arith.constant 0 : i32
    %c0_i32_0 = arith.constant 0 : i32
    return %arg0, %c0_i32 : i32, i32
  }
  func.func @transform_2(%arg0: i32) -> (i32, i32) {
    %c0_i32 = arith.constant 0 : i32
    %c0_i32_0 = arith.constant 0 : i32
    return %arg0, %c0_i32 : i32, i32
  }
  func.func @transform_3(%arg0: i32) -> (i32, i32) {
    %c0_i32 = arith.constant 0 : i32
    %c0_i32_0 = arith.constant 0 : i32
    return %arg0, %c0_i32 : i32, i32
  }
  func.func @transform_4(%arg0: i32) -> (i32, i32) {
    %c0_i32 = arith.constant 0 : i32
    %c0_i32_0 = arith.constant 0 : i32
    return %arg0, %c0_i32 : i32, i32
  }
  func.func @transform_5(%arg0: i32) -> (i32, i32) {
    %c0_i32 = arith.constant 0 : i32
    %c0_i32_0 = arith.constant 0 : i32
    %c0_i32_1 = arith.constant 0 : i32
    return %c0_i32, %c0_i32_0 : i32, i32
  }
  func.func @transform_6(%arg0: i32) -> (i32, i32) {
    %c0_i32 = arith.constant 0 : i32
    %c0_i32_0 = arith.constant 0 : i32
    return %arg0, %c0_i32 : i32, i32
  }
}

</mosaic_0001>

<sc_bundles>
// kernel: kernel.7.cloned.1.call-start
scs
__scs_entry_jumppad:
0x0: {  	(pc) =	sbr.rel $0x88, $3  }
0x1: {  	(tag) =	ssettag $0x0;
	lr =	simm.s32 $0x1  }
0x2: {  	[smem:$0x3F90] =	sst lr;
	_ =	strace $0xD0000000  }
0x3: {  	_ = 	snop  }
0x4: {  	_ = 	snop  }
0x5: {  	_ = 	snop  }
0x6: {  	_ = 	snop  }
0x7: {  	_ = 	snop  }
__scs_overlays_trampoline_lowered:
0x8: {  	[smem:$0x3F9F] =	sst s0  }
0x9: {  	[smem:$0x3FA0] =	sst s1  }
0xa: {  	[smem:$0x3FA1] =	sst s2  }
0xb: {  	[smem:$0x3FA2] =	sst s3  }
0xc: {  	[smem:$0x3FA3] =	sst s4  }
0xd: {  	[smem:$0x3FA4] =	sst s5  }
0xe: {  	[smem:$0x3FA5] =	sst s6  }
0xf: {  	[smem:$0x3FA6] =	sst s7  }
0x10: {  	[smem:$0x3FA7] =	sst s8  }
0x11: {  	[smem:$0x3FA8] =	sst s9;
	s0 =	simm.s32 @!p0 $0x0  }
0x12: {  	s1 =	sld [smem:$0x3F8E];
	s0 =	simm.s32 @p0 $0x1  }
0x13: {  	[smem:$0x3FA9] =	sst s0;
	s0 =	simm.s32 @!p1 $0x0  }
0x14: {  	s2 =	sld [smem:$0x3F8D];
	s0 =	simm.s32 @p1 $0x1  }
0x15: {  	[smem:$0x3FAA] =	sst s0;
	s0 =	simm.s32 @!p2 $0x0  }
0x16: {  	s3 =	sld [smem:$0x3FDB];
	s0 =	simm.s32 @p2 $0x1  }
0x17: {  	s4 =	simm.s32 $0x1BF5;
	[smem:$0x3FAC] =	sst s0  }
0x18: {  	s0 =	sld [smem:$0x3F8F];
	_ =	swait.ge [sflag:s4], $0x0  }
0x19: {  	s7 =	sld [smem:$0x3F90]  }
0x1a: {  	s8 =	sadd.s32 $0xFFFFE003, lr  }
0x1b: {  	s9 =	sadd.s32 $0xFFFFFEF7, lr;
	s5 =	simm.s32 $0xFFFFFFFF;
	p2 =	slt.u32 s8, $0xFFFFF086  }
0x1c: {  	p1 =	slt.u32 s9, $0xF7A;
	s5 =	simm.s32 @!p2 $0x0  }
0x1d: {  	s5 =	simm.s32 @p1 $0x1;
	p0 =	seq.s32 s7, s2  }
0x1e: {  	s7 =	smul.u32 @!p0 $0xF7A, s2;
	p2 =	seq.s32 @!p0 s5, $0x0  }
0x1f: {  	s9 =	smul.u32 $0xF7A, s1;
	s8 =	simm.s32 @!p0 $0x1BF5;
	p2 =	por !p2, p0  }
0x20: {  	[sflag:s8] =	ssyncset.s32 @!p0 $0xFFFFF086;
	s6 =	sadd.s32 @!p0 s3, s7;
	s7 =	simm.s32 @!p0 $0x108  }
0x21: {  	s3 =	sadd.s32 s3, s9;
	s6 =	sadd.s32 @!p0 $0x88, s6;
	s7 =	simm.s32 @p2 $0x1082  }
0x22: {  	[simem:s7], [sflag:s8] =	dma.local @!p0 [hbm:s6], $0xF7A  }
0x23: {  	s9 =	sor.u32 $0xD0000000, s2;
	s6 =	simm.s32 $0x108;
	_ =	swait.ge @!p0 [sflag:s8], $0x0  }
0x24: {  	s3 =	sadd.s32 $0x88, s3;
	s6 =	simm.s32 @!p1 $0x1082;
	[sflag:s4] =	ssyncset.s32 $0xFFFFF086  }
0x25: {  	[simem:s6], [sflag:s4] =	dma.local [hbm:s3], $0xF7A  }
0x26: {  	[smem:$0x3F90] =	sst s1;
	(tag) =	ssettag s2;
	_ =	strace s9  }
0x27: {  	s1 =	sld [smem:$0x3FA0]  }
0x28: {  	s2 =	sld [smem:$0x3FA1]  }
0x29: {  	s4 =	sld [smem:$0x3FA3]  }
0x2a: {  	p0 =	seq.s32 s5, $0x0;
	s5 =	sld [smem:$0x3FA4]  }
0x2b: {  	s6 =	sld [smem:$0x3FA5]  }
0x2c: {  	s7 =	sld [smem:$0x3FA6]  }
0x2d: {  	s3 =	simm.s32 $0x108;
	s8 =	sld [smem:$0x3FA7]  }
0x2e: {  	s3 =	simm.s32 @!p0 $0x1082;
	s9 =	sld [smem:$0x3FA8]  }
0x2f: {  	lr =	sadd.s32 s0, s3;
	s0 =	sld [smem:$0x3F9F]  }
0x30: {  	s3 =	sld [smem:$0x3FA2]  }
0x31: {  	[smem:$0x3FAB] =	sst s10  }
0x32: {  	s10 =	sld [smem:$0x3FA9];
	_ =	sdelay $0x3  }
0x33: {  	p0 =	seq.s32 s10, $0x1;
	s10 =	sld [smem:$0x3FAB];
	_ =	sdelay $0x3  }
0x34: {  	[smem:$0x3FAB] =	sst s10  }
0x35: {  	s10 =	sld [smem:$0x3FAA];
	_ =	sdelay $0x3  }
0x36: {  	p1 =	seq.s32 s10, $0x1;
	s10 =	sld [smem:$0x3FAB];
	_ =	sdelay $0x3  }
0x37: {  	[smem:$0x3FAB] =	sst s10  }
0x38: {  	s10 =	sld [smem:$0x3FAC]  }
0x39: {  	_ = 	snop;
	(pc) =	sbr.ind lr, $3  }
0x3a: {  	_ = 	snop  }
0x3b: {  	_ = 	snop  }
0x3c: {  	p2 =	seq.s32 s10, $0x1;
	s10 =	sld [smem:$0x3FAB]  }
0x3d: {  	_ =	shalt  }
0x3e: {  	_ =	shalt  }
0x3f: {  	_ =	shalt  }
0x40: {  	_ =	shalt  }
0x41: {  	_ =	shalt  }
0x42: {  	_ =	shalt  }
0x43: {  	_ =	shalt  }
0x44: {  	_ =	shalt  }
0x45: {  	_ =	shalt  }
0x46: {  	_ =	shalt  }
0x47: {  	_ =	shalt  }
0x48: {  	_ =	shalt  }
0x49: {  	_ =	shalt  }
0x4a: {  	_ =	shalt  }
0x4b: {  	_ =	shalt  }
0x4c: {  	_ =	shalt  }
0x4d: {  	_ =	shalt  }
0x4e: {  	_ =	shalt  }
0x4f: {  	_ =	shalt  }
0x50: {  	_ =	shalt  }
0x51: {  	_ =	shalt  }
0x52: {  	_ =	shalt  }
0x53: {  	_ =	shalt  }
0x54: {  	_ =	shalt  }
0x55: {  	_ =	shalt  }
0x56: {  	_ =	shalt  }
0x57: {  	_ =	shalt  }
0x58: {  	_ =	shalt  }
0x59: {  	_ =	shalt  }
0x5a: {  	_ =	shalt  }
0x5b: {  	_ =	shalt  }
0x5c: {  	_ =	shalt  }
0x5d: {  	_ =	shalt  }
0x5e: {  	_ =	shalt  }
0x5f: {  	_ =	shalt  }
0x60: {  	_ =	shalt  }
0x61: {  	_ =	shalt  }
0x62: {  	_ =	shalt  }
0x63: {  	_ =	shalt  }
0x64: {  	_ =	shalt  }
0x65: {  	_ =	shalt  }
0x66: {  	_ =	shalt  }
0x67: {  	_ =	shalt  }
0x68: {  	_ =	shalt  }
0x69: {  	_ =	shalt  }
0x6a: {  	_ =	shalt  }
0x6b: {  	_ =	shalt  }
0x6c: {  	_ =	shalt  }
0x6d: {  	_ =	shalt  }
0x6e: {  	_ =	shalt  }
0x6f: {  	_ =	shalt  }
0x70: {  	_ =	shalt  }
0x71: {  	_ =	shalt  }
0x72: {  	_ =	shalt  }
0x73: {  	_ =	shalt  }
0x74: {  	_ =	shalt  }
0x75: {  	_ =	shalt  }
0x76: {  	_ =	shalt  }
0x77: {  	_ =	shalt  }
0x78: {  	_ =	shalt  }
0x79: {  	_ =	shalt  }
0x7a: {  	_ =	shalt  }
0x7b: {  	_ =	shalt  }
0x7c: {  	_ =	shalt  }
0x7d: {  	_ =	shalt  }
0x7e: {  	_ =	shalt  }
0x7f: {  	_ =	shalt  }
0x80: {  	_ =	shalt  }
0x81: {  	_ =	shalt  }
0x82: {  	_ =	shalt  }
0x83: {  	_ =	shalt  }
0x84: {  	_ =	shalt  }
0x85: {  	_ =	shalt  }
0x86: {  	_ =	shalt  }
0x87: {  	_ =	shalt  }
.Lfunc_end0:
.L_simem_size_0:
called_computation_lowered:
.L_overlay_start_0:
0x88: {  	s2 =	sld [smem:$0x3FD9]  }
0x89: {  	s3 =	sld [smem:$0x3FFE];
	_ =	sdelay $0x1  }
0x8a: {  	s1 =	srdreg.scid  }
0x8b: {  	s0 =	sand.u32 $0x1, s1  }
0x8c: {  	s17 =	sshll.u32 s0, $0xA;
	s2 =	sadd.s32 s3, s2  }
0x8d: {  	s2 =	sadd.s32 s2, s17  }
0x8e: {  	[smem:$0x3FB7] =	sst s2  }
0x8f: {  	_ = 	snop  }
0x90: {  	s2 =	sld [smem:$0x3FD0];
	(tm) =	ssettm $0x1  }
0x91: {  	s18 =	sld [smem:$0x3FFB];
	_ =	sdelay $0x3  }
0x92: {  	_ =	strace s18  }
0x93: {  	s3 =	sld [smem:$0x3FFC];
	_ =	sdelay $0x3  }
0x94: {  	_ =	strace s3  }
0x95: {  	s3 =	sld [smem:$0x3FFD];
	_ =	sdelay $0x3  }
0x96: {  	_ =	strace s3  }
0x97: {  	_ =	strace $0x8FFFFFFF  }
0x98: {  	s19 =	sld [smem:$0x3FDB];
	_ =	sdelay $0x1  }
0x99: {  	s4 =	simm.s32 $_scs_section_size  }
0x9a: {  	s5 =	simm.s32 $_size__tile_overlayer_lowered;
	s6 =	simm.s32 $_tile_overlayer_lowered  }
0x9b: {  	s22 =	simm.s32 $0x1BFF;
	s21 =	sshll.u32 s6, $0x1;
	s3 =	sadd.s32 s4, s19  }
0x9c: {  	s7 =	simm.s32 $0x0;
	s20 =	sshll.u32 s5, $0x1;
	s5 =	sadd.s32 s21, s3  }
0x9d: {  	[timem:s7], [sflag:s22] =	dma.local [hbm:s5], s20  }
0x9e: {  	_ =	swait.ge [sflag:s22], s20  }
0x9f: {  	s4 =	ssub.s32 $0x0, s20;
	[sflag:s22] =	ssyncset.done $0x0  }
0xa0: {  	[sflag:s22] =	ssyncadd.s32 s4;
	_ =	sdelay $0x1  }
0xa1: {  	s23 =	simm.s32 $0x1B8B  }
0xa2: {  	_ =	swait.ge [sflag:s23], $0x1  }
0xa3: {  	[sflag:s23] =	ssyncset.done $0x0  }
0xa4: {  	s25 =	simm.s32 $0x1B8E;
	s24 =	sld [smem:$0x3FFE];
	[sflag:s23] =	ssyncadd.s32 $0xFFFFFFFF  }
0xa5: {  	s26 =	simm.s32 $execute0_lowered;
	[smem:$0x3FD2] =	sst s25  }
0xa6: {  	s5 =	sshll.u32 s26, $0x1;
	_ =	strace $0x80000046;
	[dreg:$0x1] =	wrdreg $0xFFFFFFFF  }
0xa7: {  	s28 =	simm.s32 $_size_execute0_lowered;
	s3 =	sadd.s32 s3, s5;
	[dreg:$0x0] =	wrdreg $0x0  }
0xa8: {  	s5 =	sshll.u32 s28, $0x1;
	[dreg:$0x2] =	wrdreg s3  }
0xa9: {  	[dreg:$0x3] =	wrdreg s5  }
0xaa: {  	[dreg:$0x4] =	wrdreg $0xC0  }
0xab: {  	_ =	task [dreg:s7], $0x5FFFF  }
0xac: {  	[dreg:$0x1] =	wrdreg $0xFFFFFFFF  }
0xad: {  	[dreg:$0x0] =	wrdreg $0x60  }
0xae: {  	[dreg:$0x2] =	wrdreg s2  }
0xaf: {  	[dreg:$0x3] =	wrdreg s24  }
0xb0: {  	[dreg:$0x4] =	wrdreg $0x29200  }
0xb1: {  	[dreg:$0x5] =	wrdreg $0x9  }
0xb2: {  	_ =	task.clear_ibuf [dreg:s7], $0x6FFFF;
	_ =	strace $0x90000046  }
0xb3: {  	s29 =	simm.s32 $0x9;
	_ =	strace $0x80000048  }
0xb4: {  	_ =	swait.ge [sflag:s29], $0x1  }
0xb5: {  	[sflag:s29] =	ssyncadd.s32 $0xFFFFFFFF  }
0xb6: {  	_ =	strace $0x90000048  }
0xb7: {  	_ =	sfence  }
0xb8: {  	s30 =	sld [smem:$0x0];
	_ =	sdelay $0x2  }
0xb9: {  	s31 =	sshll.u32 s1, $0xD;
	s1 =	sshrl.u32 s1, $0x2  }
0xba: {  	s3 =	sand.u32 $0x4000, s31;
	s1 =	sadd.s32 s1, s30  }
0xbb: {  	s0 =	sor.u32 s3, s0;
	s1 =	sshll.u32 s1, $0x11  }
0xbc: {  	s0 =	sor.u32 s1, s0  }
0xbd: {  	s0 =	sadd.s32 $0x8F2B, s0  }
0xbe: {  	[sflag:s0] =	ssyncadd.remote.s32 $0x1  }
0xbf: {  	_ =	sfence.sel $0xFFFF  }
0xc0: {  	[dreg:$0x0] =	wrdreg $0xFFFFFFFF;
	(pc) =	sbr.abs _section_cstart, $3  }
0xc1: {  	[dreg:$0x1] =	wrdreg $0xFFFFFFFF  }
0xc2: {  	_ =	task.clear_ibuf [dreg:s7], $0x2FFFF;
	_ =	strace $0x9FFFFFFF  }
0xc3: {  	(tm) =	ssettm $0x7FFFFFFF  }
tec
execute0_lowered:
.L_overlay_start_1:
0x0: {  	(tag) =	ssettag $0x1  }
0x1: {  	s1 =	rddreg [dreg:$0x0]  }
0x2: {  	s0 =	rddreg [dreg:$0x1]  }
0x3: {  	s2 =	rddreg [dreg:$0x2]  }
0x4: {  	s3 =	simm.s32 $0x0;
	s10 =	srdreg.scid;
	s18 =	stileid.u32  }
0x5: {  	s19 =	simm.s32 $0x820;
	s20 =	simm.s32 $0x1020;
	s21 =	simm.s32 $0x20  }
0x6: {  	s22 =	simm.s32 $0x1;
	s23 =	simm.s32 $0x2;
	s24 =	simm.s32 $0x3  }
0x7: {  	s28 =	simm.s32 $0x12;
	s29 =	simm.s32 $0x0;
	[smem:$0x7FF] =	sst s3  }
0x8: {  	s4 =	sadd.s32 $0x3200, s0;
	s5 =	sadd.s32 $0x2A400, s0;
	s6 =	sadd.s32 $0x4F8E00, s0  }
0x9: {  	s7 =	sadd.s32 $0x4EF000, s0;
	s9 =	sadd.s32 $0x4E5200, s0;
	s8 =	sadd.s32 $0x78800, s0  }
0xa: {  	s12 =	sadd.s32 $0x9FA00, s0;
	s14 =	sadd.s32 $0xC6C00, s0;
	s25 =	smul.u32 $0x57E40, s18  }
0xb: {  	s13 =	sand.u32 $0x1, s10;
	s0 =	sadd.s32 $0xEDE00, s0;
	s26 =	smul.u32 $0x2710, s18  }
0xc: {  	_ =	strace $0x80000047;
	s11 =	ssub.s32 $0x2, s13;
	s15 =	sshll.u32 s13, $0x4  }
0xd: {  	p0 =	seq.s32 s13, $0x1;
	s16 =	sshrl.u32 s11, $0x1;
	s15 =	sor.u32 s18, s15  }
0xe: {  	s17 =	sshrl.u32 s25, $0x2;
	s8 =	smov.u32 @p0 s12;
	s14 =	smov.u32 @p0 s0  }
0xf: {  	s18 =	simm.s32 $0x10;
	s16 =	ssub.s32 s11, s16;
	s10 =	smul.u32 $0x2710, s15  }
0x10: {  	s11 =	sadd.s32 s17, s2;
	s31 =	sadd.s32 s8, s26;
	s14 =	sadd.s32 s14, s26  }
0x11: {  	s15 =	simm.s32 $0x2020;
	s17 =	simm.s32 $0x1820;
	s26 =	simm.s32 $0x4  }
0x12: {  	v0 =	vimm.f32 $0.0e+00;
	vm0 =	vmmov $0x1;
	s25 =	sadd.s32 $0x80, s11;
	s30 =	smax.u32 s16, $0x1;
	[dreg:$0x5] =	wrdreg s31  }
0x13: {  	vm1 =	vcmask $0x310;
	vm2 =	vcmask $0x710;
	vm3 =	vcmask $0xB10;
	s16 =	simm.s32 $0x5;
	[dreg:$0x4] =	wrdreg s30;
	s25 =	sshrl.u32 s25, $0x3  }
.LBB2_1:
0x14: {  	s0 =	simm.s32 $0x0;
	s8 =	simm.s32 $0x240  }
.LBB2_2:
0x15: {  	p0 =	sne.s32 s8, $0x21C0;
	[tilespmem:s0+$0x20A0] =	vst v0  }
0x16: {  	[tilespmem:s0+$0x2020] =	vst v0  }
0x17: {  	[tilespmem:s0+$0x2030] =	vst v0  }
0x18: {  	[tilespmem:s0+$0x2040] =	vst v0  }
.Ltmp0:
0x19: {  	[tilespmem:s0+$0x2050] =	vst v0;
	(pc) =	sbr.rel @p0 .LBB2_2-.Ltmp0, $4  }
0x1a: {  	[tilespmem:s0+$0x2060] =	vst v0  }
0x1b: {  	[tilespmem:s0+$0x2070] =	vst v0  }
0x1c: {  	[tilespmem:s0+$0x2080] =	vst v0  }
0x1d: {  	[tilespmem:s0+$0x2090] =	vst v0;
	s0 =	sshra.s32 s8, $0x2;
	s8 =	sadd.s32 $0x240, s8  }
0x1e: {  	[tilespmem:s0+$0x20A0] =	vst v0  }
0x1f: {  	[tilespmem:s0+$0x2020] =	vst v0  }
0x20: {  	[tilespmem:s0+$0x2030] =	vst v0  }
0x21: {  	[tilespmem:s0+$0x2040] =	vst v0  }
0x22: {  	[tilespmem:s0+$0x2050] =	vst v0  }
0x23: {  	[tilespmem:s0+$0x2060] =	vst v0  }
0x24: {  	[tilespmem:s0+$0x2070] =	vst v0  }
0x25: {  	[tilespmem:s0+$0x2080] =	vst v0  }
0x26: {  	[tilespmem:s0+$0x2090] =	vst v0;
	s31 =	sadd.s32 $0x0, s11  }
0x27: {  	[spmem:s31] =	stream.linear.scatter [tilespmem:s15], [sflag:$0x5], $0x2D0, $0x38;
	[tilespmem:$0x188B0] =	vst v63  }
0x28: {  	s0 =	simm.s32 $0xB40;
	_ =	swait.ge [sflag:s16], $0x2D0  }
.LBB2_4:
0x29: {  	s8 =	sshra.s32 s0, $0x2;
	[sflag:s16] =	ssyncset.done $0x0;
	p0 =	sne.s32 s0, $0x57300  }
.Ltmp1:
0x2a: {  	s8 =	sadd.s32 s8, s11;
	[sflag:s16] =	ssyncadd.s32 $0xFFFFFD30;
	(pc) =	sbr.rel @p0 .LBB2_4-.Ltmp1, $3  }
0x2b: {  	[spmem:s8] =	stream.linear.scatter [tilespmem:s15], [sflag:$0x5], $0x2D0, $0x38;
	[tilespmem:$0x188B0] =	vst v63  }
0x2c: {  	s0 =	sadd.s32 $0xB40, s0;
	_ =	sdelay $0x1  }
0x2d: {  	_ =	swait.ge [sflag:s16], $0x2D0  }
0x2e: {  	[sflag:s16] =	ssyncset.done $0x0  }
0x2f: {  	[sflag:s16] =	ssyncadd.s32 $0xFFFFFD30  }
0x30: {  	s30 =	simm.s32 $0x0;
	[bflag:$0x0] =	sbarrier.arrive $0xFFFF  }
.LBB2_6:
0x31: {  	s0 =	sshll.u32 s30, $0x4  }
0x32: {  	s0 =	sadd.s32 s10, s0  }
0x33: {  	s8 =	sshll.u32 s0, $0x4  }
0x34: {  	s0 =	sshrl.u32 s0, $0x3;
	s8 =	sadd.s32 s6, s8  }
0x35: {  	[tilespmem:s17], [sflag:$0x1] =	stream.linear.gather [hbm4b:s8+s29], $0x800, $0x38;
	[tilespmem:$0x188B0] =	vst v63  }
0x36: {  	s13 =	sadd.s32 s7, s0  }
0x37: {  	[tilespmem:s29], [sflag:$0x5] =	stream.linear.gather [hbm4b:s13+s29], $0x10, $0x38;
	[tilespmem:$0x188B0] =	vst v63  }
0x38: {  	_ =	swait.ge [sflag:s16], $0x10  }
0x39: {  	[sflag:s16] =	ssyncset.done $0x0  }
0x3a: {  	s0 =	sadd.s32 s9, s0;
	[sflag:s16] =	ssyncadd.s32 $0xFFFFFFF0  }
0x3b: {  	[tilespmem:s18], [sflag:$0x5] =	stream.linear.gather [hbm4b:s0+s29], $0x10, $0x38;
	[tilespmem:$0x188B0] =	vst v63  }
0x3c: {  	_ =	swait.ge [sflag:s16], $0x10  }
0x3d: {  	[sflag:s16] =	ssyncset.done $0x0  }
0x3e: {  	[sflag:s16] =	ssyncadd.s32 $0xFFFFFFF0  }
0x3f: {  	[tilespmem:s19], [sflag:$0x2] =	stream.indirect.gather [hbm4b:s4+s18], $0x80, s29, s18, $0xb8;
	[tilespmem:$0x188B0] =	vst v63  }
0x40: {  	_ = 	snop  }
0x41: {  	[tilespmem:s20], [sflag:$0x3] =	stream.indirect.gather [hbm4b:s5+s18], $0x80, s29, s18, $0xb8;
	[tilespmem:$0x188B0] =	vst v63  }
0x42: {  	_ = 	snop  }
0x43: {  	[tilespmem:s21], [sflag:$0x4] =	stream.indirect.gather [hbm4b:s1+s18], $0x80, s18, s18, $0xb8;
	[tilespmem:$0x188B0] =	vst v63  }
0x44: {  	_ =	swait.ge [sflag:s22], $0x800  }
0x45: {  	[sflag:s22] =	ssyncset.done $0x0  }
0x46: {  	[sflag:s22] =	ssyncadd.s32 $0xFFFFF800  }
0x47: {  	_ =	swait.ge [sflag:s23], $0x800  }
0x48: {  	[sflag:s23] =	ssyncset.done $0x0  }
0x49: {  	[sflag:s23] =	ssyncadd.s32 $0xFFFFF800  }
0x4a: {  	_ =	swait.ge [sflag:s24], $0x800  }
0x4b: {  	[sflag:s24] =	ssyncset.done $0x0  }
0x4c: {  	[sflag:s24] =	ssyncadd.s32 $0xFFFFF800  }
0x4d: {  	_ =	swait.ge [sflag:s26], $0x800  }
0x4e: {  	[sflag:s26] =	ssyncset.done $0x0  }
0x4f: {  	s0 =	simm.s32 $0x0;
	[sflag:s26] =	ssyncadd.s32 $0xFFFFF800  }
0x50: {  	v1 =	vld [tilespmem:s0+$0x830]  }
0x51: {  	v2 =	vld [tilespmem:s0+$0x1820]  }
0x52: {  	v3 =	vld [tilespmem:s0+$0x820]  }
0x53: {  	v4 =	vld [tilespmem:s0+$0x1830]  }
0x54: {  	v5 =	vld [tilespmem:s0+$0x20]  }
0x55: {  	v6 =	vld [tilespmem:s0+$0x30];
	_ =	sdelay $0x2  }
0x56: {  	v3 =	vadd.f32 v3, v2;
	v1 =	vadd.f32 v1, v4;
	_ =	sdelay $0x1  }
0x57: {  	v3 =	vmul.f32 v3, v5;
	v1 =	vmul.f32 v1, v6;
	_ =	sdelay $0x1  }
0x58: {  	v1 =	vadd.f32 v1, v3;
	_ =	sdelay $0x1  }
0x59: {  	(xrf2) =	vadd.scan.msk.f32 $0xffff, v1;
	_ =	sdelay $0x5  }
0x5a: {  	v53 =	vld [tilespmem:s0+$0x1840]  }
0x5b: {  	v5 =	vld [tilespmem:s0+$0x1850]  }
0x5c: {  	v3 =	vld [tilespmem:s0+$0x840]  }
0x5d: {  	v1 =	vld [tilespmem:s0+$0x850]  }
0x5e: {  	v7 =	vld [tilespmem:s0+$0x50];
	v8, _, _ =	vpop (xrf2)  }
0x5f: {  	v9 =	vld [tilespmem:s0+$0x40];
	(v2sf) =	vpush v8, $0xF;
	_ =	sdelay $0x2  }
0x60: {  	v3 =	vadd.f32 v3, v53;
	v1 =	vadd.f32 v1, v5;
	_ =	sdelay $0x1  }
0x61: {  	v3 =	vmul.f32 v3, v9;
	v1 =	vmul.f32 v1, v7;
	_ =	sdelay $0x1  }
0x62: {  	v1 =	vadd.f32 v1, v3;
	_ =	sdelay $0x1  }
0x63: {  	(xrf2) =	vadd.scan.msk.f32 $0xffff, v1;
	_ =	sdelay $0x5  }
0x64: {  	v54 =	vld [tilespmem:s0+$0x1870];
	s12 =	spop (v2sf)  }
0x65: {  	v55 =	vld [tilespmem:s0+$0x1860];
	s8 =	smul.f32 $1.767766920e-01, s12  }
0x66: {  	v3 =	vld [tilespmem:s0+$0x860]  }
0x67: {  	v1 =	vld [tilespmem:s0+$0x870];
	v56 =	vmov s8  }
0x68: {  	v10 =	vld [tilespmem:s0+$0x70];
	v11, _, _ =	vpop (xrf2);
	v9 =	vmul.f32 $1.442695020e+00, v56  }
0x69: {  	v12 =	vld [tilespmem:s0+$0x60];
	(v2sf) =	vpush v11, $0xF  }
0x6a: {  	v9 =	vbroadcast v9, $0x0;
	_ =	sdelay $0x1  }
0x6b: {  	v3 =	vadd.f32 v3, v55;
	v1 =	vadd.f32 v1, v54;
	(erf) = vpow2.f32 v9;
	_ =	sdelay $0x1  }
0x6c: {  	v3 =	vmul.f32 v3, v12;
	v1 =	vmul.f32 v1, v10  }
0x6d: {  	v57 =	vld [tilespmem:s0+$0x1020]  }
0x6e: {  	v1 =	vadd.f32 v1, v3;
	_ =	sdelay $0x1  }
0x6f: {  	(xrf2) =	vadd.scan.msk.f32 $0xffff, v1  }
0x70: {  	v58 =	vld [tilespmem:s0+$0x90]  }
0x71: {  	v59 =	vld [tilespmem:s0+$0x880];
	v2 =	vadd.f32 v57, v2  }
0x72: {  	v60 =	vld [tilespmem:s0+$0x80];
	v61 =	vpop (erf)  }
0x73: {  	v13 =	vld [tilespmem:s0+$0x1880];
	v2 =	vmul.f32 v2, v61  }
0x74: {  	s31 =	simm.s32 $0x2060;
	v3 =	vld [tilespmem:s0+$0x890]  }
0x75: {  	v1 =	vld [tilespmem:s0+$0x1890];
	s13 =	spop (v2sf);
	[tilespmem:s31+$0xFFFFFFC0] =	vst v2  }
0x76: {  	s8 =	smul.f32 $1.767766920e-01, s13;
	v2 =	vld [tilespmem:s0+$0x1030];
	_ =	sdelay $0x1  }
0x77: {  	v14 =	vmov s8  }
0x78: {  	v15, _, _ =	vpop (xrf2);
	v14 =	vmul.f32 $1.442695020e+00, v14  }
0x79: {  	(v2sf) =	vpush v15, $0xF  }
0x7a: {  	v14 =	vbroadcast v14, $0x0;
	v2 =	vadd.f32 v2, v4  }
0x7b: {  	v3 =	vadd.f32 v3, v1  }
0x7c: {  	(erf) = vpow2.f32 v14;
	v4 =	vadd.f32 v59, v13;
	v2 =	vmul.f32 v2, v61;
	_ =	sdelay $0x1  }
0x7d: {  	v3 =	vmul.f32 v3, v58;
	v4 =	vmul.f32 v4, v60;
	[tilespmem:s31+$0xFFFFFFD0] =	vst v2  }
0x7e: {  	v2 =	vld [tilespmem:s0+$0x1040]  }
0x7f: {  	v3 =	vadd.f32 v3, v4;
	_ =	sdelay $0x1  }
0x80: {  	(xrf2) =	vadd.scan.msk.f32 $0xffff, v3;
	_ =	sdelay $0x1  }
0x81: {  	v2 =	vadd.f32 v2, v53  }
0x82: {  	v3 =	vpop (erf)  }
0x83: {  	v2 =	vmul.f32 v2, v3;
	_ =	sdelay $0x1  }
0x84: {  	s12 =	spop (v2sf);
	[tilespmem:s31+$0xFFFFFFE0] =	vst v2  }
0x85: {  	s8 =	smul.f32 $1.767766920e-01, s12;
	v2 =	vld [tilespmem:s0+$0x1050];
	_ =	sdelay $0x1  }
0x86: {  	v4 =	vmov s8  }
0x87: {  	v4 =	vmul.f32 $1.442695020e+00, v4;
	v62, _, _ =	vpop (xrf2)  }
0x88: {  	(v2sf) =	vpush v62, $0xF  }
0x89: {  	v4 =	vbroadcast v4, $0x0;
	v2 =	vadd.f32 v2, v5;
	_ =	sdelay $0x1  }
0x8a: {  	(erf) = vpow2.f32 v4;
	v2 =	vmul.f32 v2, v3;
	_ =	sdelay $0x1  }
0x8b: {  	[tilespmem:s31+$0xFFFFFFF0] =	vst v2  }
0x8c: {  	v2 =	vld [tilespmem:s0+$0x1060];
	_ =	sdelay $0x4  }
0x8d: {  	v2 =	vadd.f32 v2, v55  }
0x8e: {  	v4 =	vpop (erf)  }
0x8f: {  	v2 =	vmul.f32 v2, v4;
	_ =	sdelay $0x1  }
0x90: {  	s13 =	spop (v2sf);
	[tilespmem:s31+$0x0] =	vst v2  }
0x91: {  	s8 =	smul.f32 $1.767766920e-01, s13;
	v2 =	vld [tilespmem:s0+$0x1070];
	_ =	sdelay $0x1  }
0x92: {  	v5 =	vmov s8  }
0x93: {  	v5 =	vmul.f32 $1.442695020e+00, v5;
	_ =	sdelay $0x1  }
0x94: {  	v5 =	vbroadcast v5, $0x0;
	v2 =	vadd.f32 v2, v54;
	_ =	sdelay $0x1  }
0x95: {  	(erf) = vpow2.f32 v5;
	v2 =	vmul.f32 v2, v4;
	_ =	sdelay $0x1  }
0x96: {  	[tilespmem:s31+$0x10] =	vst v2  }
0x97: {  	v2 =	vld [tilespmem:s0+$0x1080];
	_ =	sdelay $0x4  }
0x98: {  	v5 =	vadd.f32 v2, v13  }
0x99: {  	v2 =	vpop (erf)  }
0x9a: {  	v63 =	vnsel vm0, $0x0, v61;
	v5 =	vmul.f32 v5, v2  }
0x9b: {  	v3 =	vsel vm1, v63, v3  }
0x9c: {  	v4 =	vsel vm2, v3, v4;
	[tilespmem:s31+$0x20] =	vst v5  }
0x9d: {  	v4 =	vsel vm3, v4, v2;
	v3 =	vld [tilespmem:s0+$0x1090]  }
0x9e: {  	s8 =	simm.s32 $0x200;
	[tilespmem:s31+$0x40] =	vst v4;
	s0 =	simm.s32 $0x2060  }
.LBB2_7:
0x9f: {  	_ =	sdelay $0x1  }
0xa0: {  	p0 =	sne.s32 s8, $0x1E00  }
0xa1: {  	s31 =	sadd.s32 $0x90, s31;
	s12 =	smov.u32 s8;
	s8 =	sadd.s32 $0x200, s8;
	v1 =	vadd.f32 v3, v1  }
0xa2: {  	_ = 	snop  }
0xa3: {  	v1 =	vmul.f32 v1, v2  }
0xa4: {  	s12 =	sshra.s32 s12, $0x2  }
0xa5: {  	[tilespmem:s0+$0x30] =	vst v1;
	s0 =	smov.u32 s31  }
0xa6: {  	v1 =	vld [tilespmem:s12+$0x830]  }
0xa7: {  	v5 =	vld [tilespmem:s12+$0x1820]  }
0xa8: {  	v2 =	vld [tilespmem:s12+$0x820]  }
0xa9: {  	v4 =	vld [tilespmem:s12+$0x1830]  }
0xaa: {  	v3 =	vld [tilespmem:s12+$0x20]  }
0xab: {  	v6 =	vld [tilespmem:s12+$0x30];
	_ =	sdelay $0x1  }
0xac: {  	v2 =	vadd.f32 v2, v5  }
0xad: {  	v1 =	vadd.f32 v1, v4  }
0xae: {  	v2 =	vmul.f32 v2, v3  }
0xaf: {  	v1 =	vmul.f32 v1, v6;
	_ =	sdelay $0x1  }
0xb0: {  	v1 =	vadd.f32 v1, v2;
	_ =	sdelay $0x1  }
0xb1: {  	(xrf2) =	vadd.scan.msk.f32 $0xffff, v1;
	_ =	sdelay $0x4  }
0xb2: {  	v1 =	vld [tilespmem:s12+$0x850]  }
0xb3: {  	v3 =	vld [tilespmem:s12+$0x840]  }
0xb4: {  	v2 =	vld [tilespmem:s12+$0x1850]  }
0xb5: {  	v6 =	vld [tilespmem:s12+$0x1840]  }
0xb6: {  	v7 =	vld [tilespmem:s12+$0x50]  }
0xb7: {  	v8 =	vld [tilespmem:s12+$0x40];
	v9, _, _ =	vpop (xrf2)  }
0xb8: {  	(v2sf) =	vpush v9, $0xF  }
0xb9: {  	v1 =	vadd.f32 v1, v2  }
0xba: {  	v3 =	vadd.f32 v3, v6;
	_ =	sdelay $0x1  }
0xbb: {  	v1 =	vmul.f32 v1, v7;
	v3 =	vmul.f32 v3, v8;
	_ =	sdelay $0x1  }
0xbc: {  	v1 =	vadd.f32 v1, v3;
	_ =	sdelay $0x1  }
0xbd: {  	(xrf2) =	vadd.scan.msk.f32 $0xffff, v1;
	_ =	sdelay $0x5  }
0xbe: {  	v1 =	vld [tilespmem:s12+$0x870]  }
0xbf: {  	v7 =	vld [tilespmem:s12+$0x860];
	s13 =	spop (v2sf)  }
0xc0: {  	v3 =	vld [tilespmem:s12+$0x1870];
	s13 =	smul.f32 $1.767766920e-01, s13  }
0xc1: {  	v8 =	vld [tilespmem:s12+$0x1860]  }
0xc2: {  	v9 =	vld [tilespmem:s12+$0x70];
	v10 =	vmov s13;
	v11, _, _ =	vpop (xrf2)  }
0xc3: {  	v12 =	vld [tilespmem:s12+$0x60];
	v10 =	vmul.f32 $1.442695020e+00, v10;
	(v2sf) =	vpush v11, $0xF;
	_ =	sdelay $0x1  }
0xc4: {  	v1 =	vadd.f32 v1, v3;
	v10 =	vbroadcast v10, $0x0  }
0xc5: {  	v7 =	vadd.f32 v7, v8  }
0xc6: {  	v1 =	vmul.f32 v1, v9;
	(erf) = vpow2.f32 v10  }
0xc7: {  	v7 =	vmul.f32 v7, v12  }
0xc8: {  	v9 =	vld [tilespmem:s12+$0x1020]  }
0xc9: {  	v1 =	vadd.f32 v1, v7;
	_ =	sdelay $0x1  }
0xca: {  	v7 =	vld [tilespmem:s12+$0x890];
	(xrf2) =	vadd.scan.msk.f32 $0xffff, v1  }
0xcb: {  	v10 =	vld [tilespmem:s12+$0x90]  }
0xcc: {  	v11 =	vld [tilespmem:s12+$0x880];
	v5 =	vadd.f32 v9, v5  }
0xcd: {  	v9 =	vld [tilespmem:s12+$0x80]  }
0xce: {  	v1 =	vld [tilespmem:s12+$0x1890];
	v12 =	vpop (erf)  }
0xcf: {  	v13 =	vld [tilespmem:s12+$0x1880];
	v5 =	vmul.f32 v5, v12  }
0xd0: {  	s13 =	spop (v2sf)  }
0xd1: {  	[tilespmem:s31+$0xFFFFFFC0] =	vst v5;
	s13 =	smul.f32 $1.767766920e-01, s13  }
0xd2: {  	v5 =	vld [tilespmem:s12+$0x1030]  }
0xd3: {  	v7 =	vadd.f32 v7, v1;
	v14 =	vmov s13  }
0xd4: {  	v11 =	vadd.f32 v11, v13;
	v14 =	vmul.f32 $1.442695020e+00, v14;
	v15, _, _ =	vpop (xrf2)  }
0xd5: {  	v7 =	vmul.f32 v7, v10;
	(v2sf) =	vpush v15, $0xF  }
0xd6: {  	v9 =	vmul.f32 v11, v9;
	v10 =	vbroadcast v14, $0x0  }
0xd7: {  	v4 =	vadd.f32 v5, v4  }
0xd8: {  	v5 =	vadd.f32 v7, v9;
	(erf) = vpow2.f32 v10  }
0xd9: {  	v4 =	vmul.f32 v4, v12  }
0xda: {  	(xrf2) =	vadd.scan.msk.f32 $0xffff, v5  }
0xdb: {  	[tilespmem:s31+$0xFFFFFFD0] =	vst v4  }
0xdc: {  	v4 =	vld [tilespmem:s12+$0x1040];
	_ =	sdelay $0x4  }
0xdd: {  	v4 =	vadd.f32 v4, v6;
	v5 =	vpop (erf);
	_ =	sdelay $0x1  }
0xde: {  	v4 =	vmul.f32 v4, v5  }
0xdf: {  	s13 =	spop (v2sf);
	v6, _, _ =	vpop (xrf2)  }
0xe0: {  	[tilespmem:s31+$0xFFFFFFE0] =	vst v4;
	s13 =	smul.f32 $1.767766920e-01, s13;
	(v2sf) =	vpush v6, $0xF  }
0xe1: {  	v4 =	vld [tilespmem:s12+$0x1050]  }
0xe2: {  	v6 =	vmov s13  }
0xe3: {  	v6 =	vmul.f32 $1.442695020e+00, v6;
	_ =	sdelay $0x1  }
0xe4: {  	v6 =	vbroadcast v6, $0x0  }
0xe5: {  	v2 =	vadd.f32 v4, v2  }
0xe6: {  	(erf) = vpow2.f32 v6  }
0xe7: {  	v2 =	vmul.f32 v2, v5;
	_ =	sdelay $0x1  }
0xe8: {  	[tilespmem:s31+$0xFFFFFFF0] =	vst v2  }
0xe9: {  	v2 =	vld [tilespmem:s12+$0x1060];
	_ =	sdelay $0x3  }
0xea: {  	s13 =	spop (v2sf)  }
0xeb: {  	v2 =	vadd.f32 v2, v8;
	s13 =	smul.f32 $1.767766920e-01, s13;
	v4 =	vpop (erf);
	_ =	sdelay $0x1  }
0xec: {  	v2 =	vmul.f32 v2, v4;
	v6 =	vmov s13  }
0xed: {  	v6 =	vmul.f32 $1.442695020e+00, v6  }
0xee: {  	[tilespmem:s31+$0x0] =	vst v2  }
0xef: {  	v2 =	vld [tilespmem:s12+$0x1070];
	v6 =	vbroadcast v6, $0x0;
	_ =	sdelay $0x4  }
0xf0: {  	v2 =	vadd.f32 v2, v3  }
0xf1: {  	(erf) = vpow2.f32 v6  }
0xf2: {  	v2 =	vmul.f32 v2, v4;
	_ =	sdelay $0x1  }
0xf3: {  	[tilespmem:s31+$0x10] =	vst v2  }
0xf4: {  	v2 =	vld [tilespmem:s12+$0x1080];
	_ =	sdelay $0x4  }
0xf5: {  	v3 =	vadd.f32 v2, v13;
	v2 =	vpop (erf);
	_ =	sdelay $0x1  }
.Ltmp2:
0xf6: {  	v6 =	vnsel vm0, $0x0, v12;
	v3 =	vmul.f32 v3, v2;
	(pc) =	sbr.rel @p0 .LBB2_7-.Ltmp2, $4  }
0xf7: {  	v5 =	vsel vm1, v6, v5  }
0xf8: {  	v4 =	vsel vm2, v5, v4;
	[tilespmem:s31+$0x20] =	vst v3  }
0xf9: {  	v4 =	vsel vm3, v4, v2;
	v3 =	vld [tilespmem:s12+$0x1090]  }
0xfa: {  	[tilespmem:s31+$0x40] =	vst v4  }
0xfb: {  	_ =	sdelay $0x2  }
0xfc: {  	v1 =	vadd.f32 v3, v1;
	_ =	sdelay $0x1  }
0xfd: {  	s30 =	sadd.s32 $0x1, s30;
	v1 =	vmul.f32 v1, v2  }
0xfe: {  	p0 =	sne.s32 s30, $0x271  }
.Ltmp3:
0xff: {  	[tilespmem:s0+$0x30] =	vst v1;
	(pc) =	sbr.rel @p0 .LBB2_6-.Ltmp3, $4  }
0x100: {  	[spmem:s2] =	stream.indirect.scatter.add.f32 [tilespmem:s15], [sflag:$0x5], $0x90, s18, s18, $0xb8;
	[tilespmem:$0x188B0] =	vst v63  }
0x101: {  	_ =	swait.ge [sflag:s16], $0x900  }
0x102: {  	[sflag:s16] =	ssyncset.done $0x0  }
0x103: {  	[sflag:s16] =	ssyncadd.s32 $0xFFFFF700  }
0x104: {  	s0 =	stileid.u32  }
0x105: {  	[bflag:$0x0] =	sbarrier.arrive $0xFFFF;
	s0 =	sshll.u32 s0, $0x6  }
0x106: {  	s8 =	sshrl.u32 s11, $0x3;
	s12 =	rddreg [dreg:$0x5];
	s0 =	sor.u32 $0x1C05, s0  }
0x107: {  	[hbm:s12@s18], [sflag:s0] =	dma.strided [spmem:s8@s28], $0x2710, s22, $0x10   }
0x108: {  	_ =	swait.ge [sflag:s16], $0x2710  }
0x109: {  	[sflag:s16] =	ssyncset.done $0x0  }
0x10a: {  	[sflag:s16] =	ssyncadd.s32 $0xFFFFD8F0  }
0x10b: {  	[hbm:s14@s18], [sflag:s0] =	dma.strided [spmem:s25@s28], $0x4E2, s22, $0x2   }
0x10c: {  	_ =	swait.ge [sflag:s16], $0x4E2  }
0x10d: {  	s3 =	sadd.s32 $0x1, s3;
	s31 =	rddreg [dreg:$0x4]  }
0x10e: {  	p0 =	sne.s32 s3, s31  }
.Ltmp4:
0x10f: {  	_ = 	snop;
	(pc) =	sbr.rel @p0 .LBB2_1-.Ltmp4, $3  }
0x110: {  	_ =	sdelay $0x1  }
0x111: {  	[sflag:s16] =	ssyncset.done $0x0  }
0x112: {  	[sflag:s16] =	ssyncadd.s32 $0xFFFFFB1E  }
0x113: {  	_ =	sfence.sel $0x180000  }
0x114: {  	[bflag:$0x0] =	sbarrier.arrive $0xFFFF  }
0x115: {  	_ =	strace $0x90000047  }
0x116: {  	s0 =	stileid.u32;
	[bflag:$0x2] =	sbarrier.arrive $0xFFFF  }
0x117: {  	p0 =	sne.s32 s0, $0x0;
	s0 =	rddreg [dreg:$0x3]  }
0x118: {  	s0 =	sadd.s32 @!p0 $0x100000, s0  }
0x119: {  	[sflag:s0] =	ssyncadd.tile.s32 @!p0 $0x1;
	_ =	shalt  }
.Lfunc_end2:
_tile_overlayer_lowered:
.L_overlay_start_2:
0x11a: {  	(tag) =	ssettag $0x2  }
0x11b: {  	s0 =	rddreg [dreg:$0x0];
	s2 =	stileid.u32  }
0x11c: {  	s1 =	rddreg [dreg:$0x1];
	p0 =	sne.s32 s2, $0x0  }
0x11d: {  	s3 =	rddreg [dreg:$0x2];
	[bflag:$0x3] =	sbarrier.arrive $0xFFFF;
	s2 =	simm.s32 @!p0 $0x1C05  }
0x11e: {  	[timem:s3], [sflag:s2] =	dma.local @!p0 [hbm:s0], s1  }
0x11f: {  	s0 =	simm.s32 @!p0 $0x5  }
0x120: {  	_ =	swait.ge @!p0 [sflag:s0], s1  }
0x121: {  	s1 =	ssub.s32 @!p0 $0x0, s1;
	[sflag:s0] =	ssyncset.done @!p0 $0x0  }
0x122: {  	[sflag:s0] =	ssyncadd.s32 @!p0 s1  }
0x123: {  	[bflag:$0x3] =	sbarrier.arrive $0xFFFF  }
0x124: {  	_ =	shalt  }

</sc_bundles>
